<compile_context>
chip_gen: v7x
topology: tpu7x:2x2x1
jax: 0.10.2.dev20260603
libtpu: 0.0.44.dev20260713+nightly
codegen_flags: <defaults>
</compile_context>

<pallas_src>
import functools

import jax
import jax.numpy as jnp
from jax import lax
from jax.experimental import pallas as pl
from jax.experimental.pallas import tpu as pltpu
from jax.experimental.pallas import tpu_sc as plsc

B = 1024
N = 20000
ROWS, COLS = 82, 67
NCELL = ROWS * COLS
CP = 5504
LANES = 16
NW = 32
B_PER_W = B // NW
STAGE = 2000
N_STAGES = N // STAGE
CHUNKS_PER_STAGE = STAGE // LANES
GATHER_CHUNKS = CP // LANES


def _regrid_sc(inputs, row_indices, col_indices):
    mesh = plsc.VectorSubcoreMesh(core_axis_name="c", subcore_axis_name="s")

    @functools.partial(
        pl.kernel,
        mesh=mesh,
        out_type=jax.ShapeDtypeStruct((B, CP), jnp.float32),
        compiler_params=pltpu.CompilerParams(needs_layout_passes=False),
        scratch_types=[
            pltpu.VMEM((CP,), jnp.int32),
            pltpu.VMEM((CP,), jnp.float32),
            pltpu.VMEM((STAGE,), jnp.int32),
            pltpu.VMEM((STAGE,), jnp.int32),
            pltpu.VMEM((N,), jnp.float32),
            pltpu.VMEM((N,), jnp.float32),
            pltpu.VMEM((CP,), jnp.float32),
            pltpu.VMEM((CP,), jnp.float32),
            pltpu.SemaphoreType.DMA,
            pltpu.SemaphoreType.DMA,
            pltpu.SemaphoreType.DMA,
            pltpu.SemaphoreType.DMA,
        ],
    )
    def k(in_hbm, row_hbm, col_hbm, out_hbm,
          winner, maskf, rbuf, cbuf, inA, inB, outA, outB,
          isem0, isem1, osem0, osem1):
        lane = lax.iota(jnp.int32, LANES)
        wid = lax.axis_index("c") * 16 + lax.axis_index("s")
        base = wid * B_PER_W
        ins = (inA, inB)
        outs = (outA, outB)
        isems = (isem0, isem1)
        osems = (osem0, osem1)

        for s in range(2):
            pltpu.async_copy(in_hbm.at[base + s], ins[s], isems[s])

        neg1 = jnp.full((LANES,), -1, jnp.int32)

        def init_body(i, carry):
            winner[pl.ds(i * LANES, LANES)] = neg1
            return carry

        lax.fori_loop(0, GATHER_CHUNKS, init_body, 0)

        for s in range(N_STAGES):
            pltpu.sync_copy(row_hbm.at[pl.ds(s * STAGE, STAGE)], rbuf)
            pltpu.sync_copy(col_hbm.at[pl.ds(s * STAGE, STAGE)], cbuf)

            def scat_body(j, carry, s=s):
                r = rbuf[pl.ds(j * LANES, LANES)]
                c = cbuf[pl.ds(j * LANES, LANES)]
                cell = r * COLS + c
                n_vec = (s * STAGE + j * LANES) + lane
                plsc.store_scatter(winner, [cell], n_vec)
                return carry

            lax.fori_loop(0, CHUNKS_PER_STAGE, scat_body, 0)

        def safe_body(j, carry):
            sl = pl.ds(j * LANES, LANES)
            w = winner[sl]
            filled = w >= 0
            winner[sl] = jnp.maximum(w, jnp.zeros((LANES,), jnp.int32))
            maskf[sl] = jnp.where(
                filled, jnp.full((LANES,), 1.0, jnp.float32),
                jnp.zeros((LANES,), jnp.float32))
            return carry

        lax.fori_loop(0, GATHER_CHUNKS, safe_body, 0)

        @pl.loop(0, B_PER_W, step=2)
        def pair(bl):
            for s in range(2):
                rl = bl + s
                b = base + rl
                @pl.when(rl >= 2)
                def _():
                    pltpu.make_async_copy(
                        outs[s], out_hbm.at[b - 2], osems[s]).wait()
                pltpu.make_async_copy(in_hbm.at[b], ins[s], isems[s]).wait()

                def gat_body(j, carry, s=s):
                    sl = pl.ds(j * LANES, LANES)
                    idx = winner[sl]
                    outs[s][sl] = plsc.load_gather(ins[s], [idx]) * maskf[sl]
                    return carry

                lax.fori_loop(0, GATHER_CHUNKS, gat_body, 0)

                pltpu.async_copy(outs[s], out_hbm.at[b], osems[s])

                @pl.when(rl + 2 < B_PER_W)
                def _():
                    pltpu.async_copy(in_hbm.at[b + 2], ins[s], isems[s])

        for s in range(2):
            pltpu.make_async_copy(
                outs[s], out_hbm.at[base + B_PER_W - 2 + s], osems[s]).wait()

    return k(inputs, row_indices, col_indices)


def kernel(inputs, row_indices, col_indices):
    out = _regrid_sc(inputs, row_indices, col_indices)
    return out[:, :NCELL].reshape(B, ROWS, COLS, 1)

# --- scband reference (transcript-rebuilt; emitter-appended) ---
"""Pipeline reference for scband-regridding-layer-80822694576471 (READ-ONLY COPY).

The authoritative reference and input builder live on the scoring server;
editing this copy changes nothing except your own understanding.
"""

import jax, jax.numpy as jnp
import numpy as np

B = 1024
N = 20000
TARGET_SHAPE = (82, 67, 1)


def setup_inputs(seed: int = 0) -> dict:
    key = jax.random.key(seed)
    k1, k2, k3 = jax.random.split(key, 3)
    inputs = jax.random.normal(k1, (B, N), dtype=jnp.float32)
    row_indices = jax.random.randint(k2, (N,), 0, TARGET_SHAPE[0], dtype=jnp.int32)
    col_indices = jax.random.randint(k3, (N,), 0, TARGET_SHAPE[1], dtype=jnp.int32)
    return {"inputs": inputs, "row_indices": row_indices, "col_indices": col_indices}


def reference(inputs, row_indices, col_indices):
    # Faithful translation of RegriddingLayer.call:
    #   regrid_map = zeros((batch,) + target_shape)
    #   scatter_indices = stack([repeat(arange(batch), N), tile(rows, batch), tile(cols, batch)])
    #   regrid_map = tensor_scatter_nd_update(regrid_map, scatter_indices, flat_inputs)
    b = inputs.shape[0]
    n = row_indices.shape[0]
    regrid_map = jnp.zeros((b,) + TARGET_SHAPE, dtype=inputs.dtype)
    batch_indices = jnp.repeat(jnp.arange(b, dtype=jnp.int32), n)
    full_row_indices = jnp.tile(row_indices, b)
    full_col_indices = jnp.tile(col_indices, b)
    flat_inputs = inputs.reshape(-1)
    # scatter-overwrite (tensor_scatter_nd_update semantics); last channel dim indexed at 0
    regrid_map = regrid_map.at[batch_indices, full_row_indices, full_col_indices, 0].set(flat_inputs)
    return regrid_map

if __name__ == "__main__":
    import jax
    _d = setup_inputs()
    print(jax.jit(kernel)(*tuple(_d.values())))

</pallas_src>

<mosaic_0001>
#map = affine_map<(d0, d1) -> (0, 0)>
#map1 = affine_map<(d0, d1) -> (0)>
module attributes {stable_mosaic.version = 14 : i64} {
  func.func @k(%arg0: i32, %arg1: i32, %arg2: memref<1024x20000xf32, #tpu.memory_space<hbm>>, %arg3: memref<20000xi32, #tpu.memory_space<hbm>>, %arg4: memref<20000xi32, #tpu.memory_space<hbm>>, %arg5: memref<1024x5504xf32, #tpu.memory_space<hbm>>, %arg6: memref<5504xi32, #tpu.memory_space<vmem>>, %arg7: memref<5504xf32, #tpu.memory_space<vmem>>, %arg8: memref<2000xi32, #tpu.memory_space<vmem>>, %arg9: memref<2000xi32, #tpu.memory_space<vmem>>, %arg10: memref<20000xf32, #tpu.memory_space<vmem>>, %arg11: memref<20000xf32, #tpu.memory_space<vmem>>, %arg12: memref<5504xf32, #tpu.memory_space<vmem>>, %arg13: memref<5504xf32, #tpu.memory_space<vmem>>, %arg14: memref<!tpu.dma_semaphore, #tpu.memory_space<semaphore_mem>>, %arg15: memref<!tpu.dma_semaphore, #tpu.memory_space<semaphore_mem>>, %arg16: memref<!tpu.dma_semaphore, #tpu.memory_space<semaphore_mem>>, %arg17: memref<!tpu.dma_semaphore, #tpu.memory_space<semaphore_mem>>) attributes {dimension_semantics = [#tpu.dimension_semantics<core_parallel>, #tpu.dimension_semantics<subcore_parallel>], iteration_bounds = array<i64: 2, 16>, scalar_prefetch = 0 : i64, scratch_operands = 12 : i64, tpu.core_type = #tpu.core_type<sc_vector_subcore>, window_params = [{transform_indices = #map}, {transform_indices = #map1}, {transform_indices = #map1}, {transform_indices = #map}]} {
    %iota3A = tpu.iota {dimensions = array<i32: 0>} : vector<16xi32>
    %mul3A = arith.constant 16 : i32
    %mul3A_0 = arith.muli %arg0, %mul3A : i32
    %add3A = arith.addi %mul3A_0, %arg1 : i32
    %mul3A_1 = arith.constant 32 : i32
    %mul3A_2 = arith.muli %add3A, %mul3A_1 : i32
    %add3A_3 = arith.constant 0 : i32
    %add3A_4 = arith.addi %mul3A_2, %add3A_3 : i32
    %dma_start3A = arith.constant 0 : i32
    %dma_start3A_5 = tpu.memref_slice %arg2[%add3A_4, %dma_start3A] : memref<1024x20000xf32, #tpu.memory_space<hbm>> -> memref<1x20000xf32, #tpu.memory_space<hbm>>
    %dma_start3A_6 = tpu.memref_squeeze %dma_start3A_5 : memref<1x20000xf32, #tpu.memory_space<hbm>> -> memref<20000xf32, #tpu.memory_space<hbm>>
    %dma_start3A_7 = arith.constant 0 : i32
    %dma_start3A_8 = tpu.memref_slice %arg2[%add3A_4, %dma_start3A_7] : memref<1024x20000xf32, #tpu.memory_space<hbm>> -> memref<1x20000xf32, #tpu.memory_space<hbm>>
    %dma_start3A_9 = tpu.memref_squeeze %dma_start3A_8 : memref<1x20000xf32, #tpu.memory_space<hbm>> -> memref<20000xf32, #tpu.memory_space<hbm>>
    tpu.enqueue_dma source(%dma_start3A_9 : memref<20000xf32, #tpu.memory_space<hbm>>) target(%arg10 : memref<20000xf32, #tpu.memory_space<vmem>>) target_semaphore(%arg14 : memref<!tpu.dma_semaphore, #tpu.memory_space<semaphore_mem>>)
    %add3A_10 = arith.constant 1 : i32
    %add3A_11 = arith.addi %mul3A_2, %add3A_10 : i32
    %dma_start3A_12 = arith.constant 0 : i32
    %dma_start3A_13 = tpu.memref_slice %arg2[%add3A_11, %dma_start3A_12] : memref<1024x20000xf32, #tpu.memory_space<hbm>> -> memref<1x20000xf32, #tpu.memory_space<hbm>>
    %dma_start3A_14 = tpu.memref_squeeze %dma_start3A_13 : memref<1x20000xf32, #tpu.memory_space<hbm>> -> memref<20000xf32, #tpu.memory_space<hbm>>
    %dma_start3A_15 = arith.constant 0 : i32
    %dma_start3A_16 = tpu.memref_slice %arg2[%add3A_11, %dma_start3A_15] : memref<1024x20000xf32, #tpu.memory_space<hbm>> -> memref<1x20000xf32, #tpu.memory_space<hbm>>
    %dma_start3A_17 = tpu.memref_squeeze %dma_start3A_16 : memref<1x20000xf32, #tpu.memory_space<hbm>> -> memref<20000xf32, #tpu.memory_space<hbm>>
    tpu.enqueue_dma source(%dma_start3A_17 : memref<20000xf32, #tpu.memory_space<hbm>>) target(%arg11 : memref<20000xf32, #tpu.memory_space<vmem>>) target_semaphore(%arg15 : memref<!tpu.dma_semaphore, #tpu.memory_space<semaphore_mem>>)
    %broadcast_in_dim3A = arith.constant -1 : i32
    %broadcast_in_dim3A_18 = vector.broadcast %broadcast_in_dim3A : i32 to vector<16xi32>
    %scan3A = arith.constant 0 : i32
    %scan3A_19 = arith.constant 0 : i32
    %scan3A_20 = arith.constant 344 : i32
    %scan3A_21 = arith.addi %scan3A_19, %scan3A_20 : i32
    %scan3A_22 = arith.constant 1 : i32
    scf.for %scan3A_117 = %scan3A_19 to %scan3A_21 step %scan3A_22  : i32 {
      %mul3A_118 = arith.constant 16 : i32
      %mul3A_119 = arith.muli %scan3A_117, %mul3A_118 : i32
      %swap3A = arith.index_cast %mul3A_119 : i32 to index
      %swap3A_120 = tpu.vector_load %arg6[%swap3A] {strides = array<i32>} : memref<5504xi32, #tpu.memory_space<vmem>>, vector<16xi32>,
      tpu.vector_store %arg6[%swap3A], %broadcast_in_dim3A_18 {strides = array<i32>} : memref<5504xi32, #tpu.memory_space<vmem>>, vector<16xi32>,
    }
    %scan3A_23 = arith.constant 344 : i32
    "tpu.region"() ({
      %run_scoped3A = tpu.sem_alloc : memref<!tpu.dma_semaphore, #tpu.memory_space<semaphore_mem>>
      %dma_start3A_117 = arith.constant 0 : i32
      %dma_start3A_118 = tpu.memref_slice %arg3[%dma_start3A_117] : memref<20000xi32, #tpu.memory_space<hbm>> -> memref<2000xi32, #tpu.memory_space<hbm>>
      %dma_start3A_119 = arith.constant 0 : i32
      %dma_start3A_120 = tpu.memref_slice %arg3[%dma_start3A_119] : memref<20000xi32, #tpu.memory_space<hbm>> -> memref<2000xi32, #tpu.memory_space<hbm>>
      tpu.enqueue_dma source(%dma_start3A_120 : memref<2000xi32, #tpu.memory_space<hbm>>) target(%arg8 : memref<2000xi32, #tpu.memory_space<vmem>>) target_semaphore(%run_scoped3A : memref<!tpu.dma_semaphore, #tpu.memory_space<semaphore_mem>>)
      %dma_wait3A_121 = arith.constant 0 : i32
      %dma_wait3A_122 = tpu.memref_slice %arg3[%dma_wait3A_121] : memref<20000xi32, #tpu.memory_space<hbm>> -> memref<2000xi32, #tpu.memory_space<hbm>>
      %dma_wait3A_123 = arith.constant 0 : i32
      %dma_wait3A_124 = tpu.memref_slice %arg3[%dma_wait3A_123] : memref<20000xi32, #tpu.memory_space<hbm>> -> memref<2000xi32, #tpu.memory_space<hbm>>
      tpu.wait_dma2 semaphore(%run_scoped3A : memref<!tpu.dma_semaphore, #tpu.memory_space<semaphore_mem>>) src(%dma_wait3A_124 : memref<2000xi32, #tpu.memory_space<hbm>>) dst(%arg8 : memref<2000xi32, #tpu.memory_space<vmem>>)
      tpu.yield
    }) : () -> ()
    "tpu.region"() ({
      %run_scoped3A = tpu.sem_alloc : memref<!tpu.dma_semaphore, #tpu.memory_space<semaphore_mem>>
      %dma_start3A_117 = arith.constant 0 : i32
      %dma_start3A_118 = tpu.memref_slice %arg4[%dma_start3A_117] : memref<20000xi32, #tpu.memory_space<hbm>> -> memref<2000xi32, #tpu.memory_space<hbm>>
      %dma_start3A_119 = arith.constant 0 : i32
      %dma_start3A_120 = tpu.memref_slice %arg4[%dma_start3A_119] : memref<20000xi32, #tpu.memory_space<hbm>> -> memref<2000xi32, #tpu.memory_space<hbm>>
      tpu.enqueue_dma source(%dma_start3A_120 : memref<2000xi32, #tpu.memory_space<hbm>>) target(%arg9 : memref<2000xi32, #tpu.memory_space<vmem>>) target_semaphore(%run_scoped3A : memref<!tpu.dma_semaphore, #tpu.memory_space<semaphore_mem>>)
      %dma_wait3A_121 = arith.constant 0 : i32
      %dma_wait3A_122 = tpu.memref_slice %arg4[%dma_wait3A_121] : memref<20000xi32, #tpu.memory_space<hbm>> -> memref<2000xi32, #tpu.memory_space<hbm>>
      %dma_wait3A_123 = arith.constant 0 : i32
      %dma_wait3A_124 = tpu.memref_slice %arg4[%dma_wait3A_123] : memref<20000xi32, #tpu.memory_space<hbm>> -> memref<2000xi32, #tpu.memory_space<hbm>>
      tpu.wait_dma2 semaphore(%run_scoped3A : memref<!tpu.dma_semaphore, #tpu.memory_space<semaphore_mem>>) src(%dma_wait3A_124 : memref<2000xi32, #tpu.memory_space<hbm>>) dst(%arg9 : memref<2000xi32, #tpu.memory_space<vmem>>)
      tpu.yield
    }) : () -> ()
    %scan3A_24 = arith.constant 0 : i32
    %scan3A_25 = arith.constant 0 : i32
    %scan3A_26 = arith.constant 125 : i32
    %scan3A_27 = arith.addi %scan3A_25, %scan3A_26 : i32
    %scan3A_28 = arith.constant 1 : i32
    scf.for %scan3A_117 = %scan3A_25 to %scan3A_27 step %scan3A_28  : i32 {
      %mul3A_118 = arith.constant 16 : i32
      %mul3A_119 = arith.muli %scan3A_117, %mul3A_118 : i32
      %get3A = arith.index_cast %mul3A_119 : i32 to index
      %get3A_120 = tpu.vector_load %arg8[%get3A] {strides = array<i32>} : memref<2000xi32, #tpu.memory_space<vmem>>, vector<16xi32>,
      %mul3A_121 = arith.constant 16 : i32
      %mul3A_122 = arith.muli %scan3A_117, %mul3A_121 : i32
      %get3A_123 = arith.index_cast %mul3A_122 : i32 to index
      %get3A_124 = tpu.vector_load %arg9[%get3A_123] {strides = array<i32>} : memref<2000xi32, #tpu.memory_space<vmem>>, vector<16xi32>,
      %mul3A_125 = arith.constant 67 : i32
      %mul3A_126 = vector.broadcast %mul3A_125 : i32 to vector<16xi32>
      %mul3A_127 = arith.muli %get3A_120, %mul3A_126 : vector<16xi32>
      %add3A_128 = arith.addi %mul3A_127, %get3A_124 : vector<16xi32>
      %mul3A_129 = arith.constant 16 : i32
      %mul3A_130 = arith.muli %scan3A_117, %mul3A_129 : i32
      %add3A_131 = arith.constant 0 : i32
      %add3A_132 = arith.addi %add3A_131, %mul3A_130 : i32
      %add3A_133 = vector.broadcast %add3A_132 : i32 to vector<16xi32>
      %add3A_134 = arith.addi %add3A_133, %iota3A : vector<16xi32>
      tpu.vector_store_idx %arg6[%add3A_128], %add3A_134 : memref<5504xi32, #tpu.memory_space<vmem>>[vector<16xi32>], vector<16xi32>,
    }
    %scan3A_29 = arith.constant 125 : i32
    "tpu.region"() ({
      %run_scoped3A = tpu.sem_alloc : memref<!tpu.dma_semaphore, #tpu.memory_space<semaphore_mem>>
      %dma_start3A_117 = arith.constant 2000 : i32
      %dma_start3A_118 = tpu.memref_slice %arg3[%dma_start3A_117] : memref<20000xi32, #tpu.memory_space<hbm>> -> memref<2000xi32, #tpu.memory_space<hbm>>
      %dma_start3A_119 = arith.constant 2000 : i32
      %dma_start3A_120 = tpu.memref_slice %arg3[%dma_start3A_119] : memref<20000xi32, #tpu.memory_space<hbm>> -> memref<2000xi32, #tpu.memory_space<hbm>>
      tpu.enqueue_dma source(%dma_start3A_120 : memref<2000xi32, #tpu.memory_space<hbm>>) target(%arg8 : memref<2000xi32, #tpu.memory_space<vmem>>) target_semaphore(%run_scoped3A : memref<!tpu.dma_semaphore, #tpu.memory_space<semaphore_mem>>)
      %dma_wait3A_121 = arith.constant 2000 : i32
      %dma_wait3A_122 = tpu.memref_slice %arg3[%dma_wait3A_121] : memref<20000xi32, #tpu.memory_space<hbm>> -> memref<2000xi32, #tpu.memory_space<hbm>>
      %dma_wait3A_123 = arith.constant 2000 : i32
      %dma_wait3A_124 = tpu.memref_slice %arg3[%dma_wait3A_123] : memref<20000xi32, #tpu.memory_space<hbm>> -> memref<2000xi32, #tpu.memory_space<hbm>>
      tpu.wait_dma2 semaphore(%run_scoped3A : memref<!tpu.dma_semaphore, #tpu.memory_space<semaphore_mem>>) src(%dma_wait3A_124 : memref<2000xi32, #tpu.memory_space<hbm>>) dst(%arg8 : memref<2000xi32, #tpu.memory_space<vmem>>)
      tpu.yield
    }) : () -> ()
    "tpu.region"() ({
      %run_scoped3A = tpu.sem_alloc : memref<!tpu.dma_semaphore, #tpu.memory_space<semaphore_mem>>
      %dma_start3A_117 = arith.constant 2000 : i32
      %dma_start3A_118 = tpu.memref_slice %arg4[%dma_start3A_117] : memref<20000xi32, #tpu.memory_space<hbm>> -> memref<2000xi32, #tpu.memory_space<hbm>>
      %dma_start3A_119 = arith.constant 2000 : i32
      %dma_start3A_120 = tpu.memref_slice %arg4[%dma_start3A_119] : memref<20000xi32, #tpu.memory_space<hbm>> -> memref<2000xi32, #tpu.memory_space<hbm>>
      tpu.enqueue_dma source(%dma_start3A_120 : memref<2000xi32, #tpu.memory_space<hbm>>) target(%arg9 : memref<2000xi32, #tpu.memory_space<vmem>>) target_semaphore(%run_scoped3A : memref<!tpu.dma_semaphore, #tpu.memory_space<semaphore_mem>>)
      %dma_wait3A_121 = arith.constant 2000 : i32
      %dma_wait3A_122 = tpu.memref_slice %arg4[%dma_wait3A_121] : memref<20000xi32, #tpu.memory_space<hbm>> -> memref<2000xi32, #tpu.memory_space<hbm>>
      %dma_wait3A_123 = arith.constant 2000 : i32
      %dma_wait3A_124 = tpu.memref_slice %arg4[%dma_wait3A_123] : memref<20000xi32, #tpu.memory_space<hbm>> -> memref<2000xi32, #tpu.memory_space<hbm>>
      tpu.wait_dma2 semaphore(%run_scoped3A : memref<!tpu.dma_semaphore, #tpu.memory_space<semaphore_mem>>) src(%dma_wait3A_124 : memref<2000xi32, #tpu.memory_space<hbm>>) dst(%arg9 : memref<2000xi32, #tpu.memory_space<vmem>>)
      tpu.yield
    }) : () -> ()
    %scan3A_30 = arith.constant 0 : i32
    %scan3A_31 = arith.constant 0 : i32
    %scan3A_32 = arith.constant 125 : i32
    %scan3A_33 = arith.addi %scan3A_31, %scan3A_32 : i32
    %scan3A_34 = arith.constant 1 : i32
    scf.for %scan3A_117 = %scan3A_31 to %scan3A_33 step %scan3A_34  : i32 {
      %mul3A_118 = arith.constant 16 : i32
      %mul3A_119 = arith.muli %scan3A_117, %mul3A_118 : i32
      %get3A = arith.index_cast %mul3A_119 : i32 to index
      %get3A_120 = tpu.vector_load %arg8[%get3A] {strides = array<i32>} : memref<2000xi32, #tpu.memory_space<vmem>>, vector<16xi32>,
      %mul3A_121 = arith.constant 16 : i32
      %mul3A_122 = arith.muli %scan3A_117, %mul3A_121 : i32
      %get3A_123 = arith.index_cast %mul3A_122 : i32 to index
      %get3A_124 = tpu.vector_load %arg9[%get3A_123] {strides = array<i32>} : memref<2000xi32, #tpu.memory_space<vmem>>, vector<16xi32>,
      %mul3A_125 = arith.constant 67 : i32
      %mul3A_126 = vector.broadcast %mul3A_125 : i32 to vector<16xi32>
      %mul3A_127 = arith.muli %get3A_120, %mul3A_126 : vector<16xi32>
      %add3A_128 = arith.addi %mul3A_127, %get3A_124 : vector<16xi32>
      %mul3A_129 = arith.constant 16 : i32
      %mul3A_130 = arith.muli %scan3A_117, %mul3A_129 : i32
      %add3A_131 = arith.constant 2000 : i32
      %add3A_132 = arith.addi %add3A_131, %mul3A_130 : i32
      %add3A_133 = vector.broadcast %add3A_132 : i32 to vector<16xi32>
      %add3A_134 = arith.addi %add3A_133, %iota3A : vector<16xi32>
      tpu.vector_store_idx %arg6[%add3A_128], %add3A_134 : memref<5504xi32, #tpu.memory_space<vmem>>[vector<16xi32>], vector<16xi32>,
    }
    %scan3A_35 = arith.constant 125 : i32
    "tpu.region"() ({
      %run_scoped3A = tpu.sem_alloc : memref<!tpu.dma_semaphore, #tpu.memory_space<semaphore_mem>>
      %dma_start3A_117 = arith.constant 4000 : i32
      %dma_start3A_118 = tpu.memref_slice %arg3[%dma_start3A_117] : memref<20000xi32, #tpu.memory_space<hbm>> -> memref<2000xi32, #tpu.memory_space<hbm>>
      %dma_start3A_119 = arith.constant 4000 : i32
      %dma_start3A_120 = tpu.memref_slice %arg3[%dma_start3A_119] : memref<20000xi32, #tpu.memory_space<hbm>> -> memref<2000xi32, #tpu.memory_space<hbm>>
      tpu.enqueue_dma source(%dma_start3A_120 : memref<2000xi32, #tpu.memory_space<hbm>>) target(%arg8 : memref<2000xi32, #tpu.memory_space<vmem>>) target_semaphore(%run_scoped3A : memref<!tpu.dma_semaphore, #tpu.memory_space<semaphore_mem>>)
      %dma_wait3A_121 = arith.constant 4000 : i32
      %dma_wait3A_122 = tpu.memref_slice %arg3[%dma_wait3A_121] : memref<20000xi32, #tpu.memory_space<hbm>> -> memref<2000xi32, #tpu.memory_space<hbm>>
      %dma_wait3A_123 = arith.constant 4000 : i32
      %dma_wait3A_124 = tpu.memref_slice %arg3[%dma_wait3A_123] : memref<20000xi32, #tpu.memory_space<hbm>> -> memref<2000xi32, #tpu.memory_space<hbm>>
      tpu.wait_dma2 semaphore(%run_scoped3A : memref<!tpu.dma_semaphore, #tpu.memory_space<semaphore_mem>>) src(%dma_wait3A_124 : memref<2000xi32, #tpu.memory_space<hbm>>) dst(%arg8 : memref<2000xi32, #tpu.memory_space<vmem>>)
      tpu.yield
    }) : () -> ()
    "tpu.region"() ({
      %run_scoped3A = tpu.sem_alloc : memref<!tpu.dma_semaphore, #tpu.memory_space<semaphore_mem>>
      %dma_start3A_117 = arith.constant 4000 : i32
      %dma_start3A_118 = tpu.memref_slice %arg4[%dma_start3A_117] : memref<20000xi32, #tpu.memory_space<hbm>> -> memref<2000xi32, #tpu.memory_space<hbm>>
      %dma_start3A_119 = arith.constant 4000 : i32
      %dma_start3A_120 = tpu.memref_slice %arg4[%dma_start3A_119] : memref<20000xi32, #tpu.memory_space<hbm>> -> memref<2000xi32, #tpu.memory_space<hbm>>
      tpu.enqueue_dma source(%dma_start3A_120 : memref<2000xi32, #tpu.memory_space<hbm>>) target(%arg9 : memref<2000xi32, #tpu.memory_space<vmem>>) target_semaphore(%run_scoped3A : memref<!tpu.dma_semaphore, #tpu.memory_space<semaphore_mem>>)
      %dma_wait3A_121 = arith.constant 4000 : i32
      %dma_wait3A_122 = tpu.memref_slice %arg4[%dma_wait3A_121] : memref<20000xi32, #tpu.memory_space<hbm>> -> memref<2000xi32, #tpu.memory_space<hbm>>
      %dma_wait3A_123 = arith.constant 4000 : i32
      %dma_wait3A_124 = tpu.memref_slice %arg4[%dma_wait3A_123] : memref<20000xi32, #tpu.memory_space<hbm>> -> memref<2000xi32, #tpu.memory_space<hbm>>
      tpu.wait_dma2 semaphore(%run_scoped3A : memref<!tpu.dma_semaphore, #tpu.memory_space<semaphore_mem>>) src(%dma_wait3A_124 : memref<2000xi32, #tpu.memory_space<hbm>>) dst(%arg9 : memref<2000xi32, #tpu.memory_space<vmem>>)
      tpu.yield
    }) : () -> ()
    %scan3A_36 = arith.constant 0 : i32
    %scan3A_37 = arith.constant 0 : i32
    %scan3A_38 = arith.constant 125 : i32
    %scan3A_39 = arith.addi %scan3A_37, %scan3A_38 : i32
    %scan3A_40 = arith.constant 1 : i32
    scf.for %scan3A_117 = %scan3A_37 to %scan3A_39 step %scan3A_40  : i32 {
      %mul3A_118 = arith.constant 16 : i32
      %mul3A_119 = arith.muli %scan3A_117, %mul3A_118 : i32
      %get3A = arith.index_cast %mul3A_119 : i32 to index
      %get3A_120 = tpu.vector_load %arg8[%get3A] {strides = array<i32>} : memref<2000xi32, #tpu.memory_space<vmem>>, vector<16xi32>,
      %mul3A_121 = arith.constant 16 : i32
      %mul3A_122 = arith.muli %scan3A_117, %mul3A_121 : i32
      %get3A_123 = arith.index_cast %mul3A_122 : i32 to index
      %get3A_124 = tpu.vector_load %arg9[%get3A_123] {strides = array<i32>} : memref<2000xi32, #tpu.memory_space<vmem>>, vector<16xi32>,
      %mul3A_125 = arith.constant 67 : i32
      %mul3A_126 = vector.broadcast %mul3A_125 : i32 to vector<16xi32>
      %mul3A_127 = arith.muli %get3A_120, %mul3A_126 : vector<16xi32>
      %add3A_128 = arith.addi %mul3A_127, %get3A_124 : vector<16xi32>
      %mul3A_129 = arith.constant 16 : i32
      %mul3A_130 = arith.muli %scan3A_117, %mul3A_129 : i32
      %add3A_131 = arith.constant 4000 : i32
      %add3A_132 = arith.addi %add3A_131, %mul3A_130 : i32
      %add3A_133 = vector.broadcast %add3A_132 : i32 to vector<16xi32>
      %add3A_134 = arith.addi %add3A_133, %iota3A : vector<16xi32>
      tpu.vector_store_idx %arg6[%add3A_128], %add3A_134 : memref<5504xi32, #tpu.memory_space<vmem>>[vector<16xi32>], vector<16xi32>,
    }
    %scan3A_41 = arith.constant 125 : i32
    "tpu.region"() ({
      %run_scoped3A = tpu.sem_alloc : memref<!tpu.dma_semaphore, #tpu.memory_space<semaphore_mem>>
      %dma_start3A_117 = arith.constant 6000 : i32
      %dma_start3A_118 = tpu.memref_slice %arg3[%dma_start3A_117] : memref<20000xi32, #tpu.memory_space<hbm>> -> memref<2000xi32, #tpu.memory_space<hbm>>
      %dma_start3A_119 = arith.constant 6000 : i32
      %dma_start3A_120 = tpu.memref_slice %arg3[%dma_start3A_119] : memref<20000xi32, #tpu.memory_space<hbm>> -> memref<2000xi32, #tpu.memory_space<hbm>>
      tpu.enqueue_dma source(%dma_start3A_120 : memref<2000xi32, #tpu.memory_space<hbm>>) target(%arg8 : memref<2000xi32, #tpu.memory_space<vmem>>) target_semaphore(%run_scoped3A : memref<!tpu.dma_semaphore, #tpu.memory_space<semaphore_mem>>)
      %dma_wait3A_121 = arith.constant 6000 : i32
      %dma_wait3A_122 = tpu.memref_slice %arg3[%dma_wait3A_121] : memref<20000xi32, #tpu.memory_space<hbm>> -> memref<2000xi32, #tpu.memory_space<hbm>>
      %dma_wait3A_123 = arith.constant 6000 : i32
      %dma_wait3A_124 = tpu.memref_slice %arg3[%dma_wait3A_123] : memref<20000xi32, #tpu.memory_space<hbm>> -> memref<2000xi32, #tpu.memory_space<hbm>>
      tpu.wait_dma2 semaphore(%run_scoped3A : memref<!tpu.dma_semaphore, #tpu.memory_space<semaphore_mem>>) src(%dma_wait3A_124 : memref<2000xi32, #tpu.memory_space<hbm>>) dst(%arg8 : memref<2000xi32, #tpu.memory_space<vmem>>)
      tpu.yield
    }) : () -> ()
    "tpu.region"() ({
      %run_scoped3A = tpu.sem_alloc : memref<!tpu.dma_semaphore, #tpu.memory_space<semaphore_mem>>
      %dma_start3A_117 = arith.constant 6000 : i32
      %dma_start3A_118 = tpu.memref_slice %arg4[%dma_start3A_117] : memref<20000xi32, #tpu.memory_space<hbm>> -> memref<2000xi32, #tpu.memory_space<hbm>>
      %dma_start3A_119 = arith.constant 6000 : i32
      %dma_start3A_120 = tpu.memref_slice %arg4[%dma_start3A_119] : memref<20000xi32, #tpu.memory_space<hbm>> -> memref<2000xi32, #tpu.memory_space<hbm>>
      tpu.enqueue_dma source(%dma_start3A_120 : memref<2000xi32, #tpu.memory_space<hbm>>) target(%arg9 : memref<2000xi32, #tpu.memory_space<vmem>>) target_semaphore(%run_scoped3A : memref<!tpu.dma_semaphore, #tpu.memory_space<semaphore_mem>>)
      %dma_wait3A_121 = arith.constant 6000 : i32
      %dma_wait3A_122 = tpu.memref_slice %arg4[%dma_wait3A_121] : memref<20000xi32, #tpu.memory_space<hbm>> -> memref<2000xi32, #tpu.memory_space<hbm>>
      %dma_wait3A_123 = arith.constant 6000 : i32
      %dma_wait3A_124 = tpu.memref_slice %arg4[%dma_wait3A_123] : memref<20000xi32, #tpu.memory_space<hbm>> -> memref<2000xi32, #tpu.memory_space<hbm>>
      tpu.wait_dma2 semaphore(%run_scoped3A : memref<!tpu.dma_semaphore, #tpu.memory_space<semaphore_mem>>) src(%dma_wait3A_124 : memref<2000xi32, #tpu.memory_space<hbm>>) dst(%arg9 : memref<2000xi32, #tpu.memory_space<vmem>>)
      tpu.yield
    }) : () -> ()
    %scan3A_42 = arith.constant 0 : i32
    %scan3A_43 = arith.constant 0 : i32
    %scan3A_44 = arith.constant 125 : i32
    %scan3A_45 = arith.addi %scan3A_43, %scan3A_44 : i32
    %scan3A_46 = arith.constant 1 : i32
    scf.for %scan3A_117 = %scan3A_43 to %scan3A_45 step %scan3A_46  : i32 {
      %mul3A_118 = arith.constant 16 : i32
      %mul3A_119 = arith.muli %scan3A_117, %mul3A_118 : i32
      %get3A = arith.index_cast %mul3A_119 : i32 to index
      %get3A_120 = tpu.vector_load %arg8[%get3A] {strides = array<i32>} : memref<2000xi32, #tpu.memory_space<vmem>>, vector<16xi32>,
      %mul3A_121 = arith.constant 16 : i32
      %mul3A_122 = arith.muli %scan3A_117, %mul3A_121 : i32
      %get3A_123 = arith.index_cast %mul3A_122 : i32 to index
      %get3A_124 = tpu.vector_load %arg9[%get3A_123] {strides = array<i32>} : memref<2000xi32, #tpu.memory_space<vmem>>, vector<16xi32>,
      %mul3A_125 = arith.constant 67 : i32
      %mul3A_126 = vector.broadcast %mul3A_125 : i32 to vector<16xi32>
      %mul3A_127 = arith.muli %get3A_120, %mul3A_126 : vector<16xi32>
      %add3A_128 = arith.addi %mul3A_127, %get3A_124 : vector<16xi32>
      %mul3A_129 = arith.constant 16 : i32
      %mul3A_130 = arith.muli %scan3A_117, %mul3A_129 : i32
      %add3A_131 = arith.constant 6000 : i32
      %add3A_132 = arith.addi %add3A_131, %mul3A_130 : i32
      %add3A_133 = vector.broadcast %add3A_132 : i32 to vector<16xi32>
      %add3A_134 = arith.addi %add3A_133, %iota3A : vector<16xi32>
      tpu.vector_store_idx %arg6[%add3A_128], %add3A_134 : memref<5504xi32, #tpu.memory_space<vmem>>[vector<16xi32>], vector<16xi32>,
    }
    %scan3A_47 = arith.constant 125 : i32
    "tpu.region"() ({
      %run_scoped3A = tpu.sem_alloc : memref<!tpu.dma_semaphore, #tpu.memory_space<semaphore_mem>>
      %dma_start3A_117 = arith.constant 8000 : i32
      %dma_start3A_118 = tpu.memref_slice %arg3[%dma_start3A_117] : memref<20000xi32, #tpu.memory_space<hbm>> -> memref<2000xi32, #tpu.memory_space<hbm>>
      %dma_start3A_119 = arith.constant 8000 : i32
      %dma_start3A_120 = tpu.memref_slice %arg3[%dma_start3A_119] : memref<20000xi32, #tpu.memory_space<hbm>> -> memref<2000xi32, #tpu.memory_space<hbm>>
      tpu.enqueue_dma source(%dma_start3A_120 : memref<2000xi32, #tpu.memory_space<hbm>>) target(%arg8 : memref<2000xi32, #tpu.memory_space<vmem>>) target_semaphore(%run_scoped3A : memref<!tpu.dma_semaphore, #tpu.memory_space<semaphore_mem>>)
      %dma_wait3A_121 = arith.constant 8000 : i32
      %dma_wait3A_122 = tpu.memref_slice %arg3[%dma_wait3A_121] : memref<20000xi32, #tpu.memory_space<hbm>> -> memref<2000xi32, #tpu.memory_space<hbm>>
      %dma_wait3A_123 = arith.constant 8000 : i32
      %dma_wait3A_124 = tpu.memref_slice %arg3[%dma_wait3A_123] : memref<20000xi32, #tpu.memory_space<hbm>> -> memref<2000xi32, #tpu.memory_space<hbm>>
      tpu.wait_dma2 semaphore(%run_scoped3A : memref<!tpu.dma_semaphore, #tpu.memory_space<semaphore_mem>>) src(%dma_wait3A_124 : memref<2000xi32, #tpu.memory_space<hbm>>) dst(%arg8 : memref<2000xi32, #tpu.memory_space<vmem>>)
      tpu.yield
    }) : () -> ()
    "tpu.region"() ({
      %run_scoped3A = tpu.sem_alloc : memref<!tpu.dma_semaphore, #tpu.memory_space<semaphore_mem>>
      %dma_start3A_117 = arith.constant 8000 : i32
      %dma_start3A_118 = tpu.memref_slice %arg4[%dma_start3A_117] : memref<20000xi32, #tpu.memory_space<hbm>> -> memref<2000xi32, #tpu.memory_space<hbm>>
      %dma_start3A_119 = arith.constant 8000 : i32
      %dma_start3A_120 = tpu.memref_slice %arg4[%dma_start3A_119] : memref<20000xi32, #tpu.memory_space<hbm>> -> memref<2000xi32, #tpu.memory_space<hbm>>
      tpu.enqueue_dma source(%dma_start3A_120 : memref<2000xi32, #tpu.memory_space<hbm>>) target(%arg9 : memref<2000xi32, #tpu.memory_space<vmem>>) target_semaphore(%run_scoped3A : memref<!tpu.dma_semaphore, #tpu.memory_space<semaphore_mem>>)
      %dma_wait3A_121 = arith.constant 8000 : i32
      %dma_wait3A_122 = tpu.memref_slice %arg4[%dma_wait3A_121] : memref<20000xi32, #tpu.memory_space<hbm>> -> memref<2000xi32, #tpu.memory_space<hbm>>
      %dma_wait3A_123 = arith.constant 8000 : i32
      %dma_wait3A_124 = tpu.memref_slice %arg4[%dma_wait3A_123] : memref<20000xi32, #tpu.memory_space<hbm>> -> memref<2000xi32, #tpu.memory_space<hbm>>
      tpu.wait_dma2 semaphore(%run_scoped3A : memref<!tpu.dma_semaphore, #tpu.memory_space<semaphore_mem>>) src(%dma_wait3A_124 : memref<2000xi32, #tpu.memory_space<hbm>>) dst(%arg9 : memref<2000xi32, #tpu.memory_space<vmem>>)
      tpu.yield
    }) : () -> ()
    %scan3A_48 = arith.constant 0 : i32
    %scan3A_49 = arith.constant 0 : i32
    %scan3A_50 = arith.constant 125 : i32
    %scan3A_51 = arith.addi %scan3A_49, %scan3A_50 : i32
    %scan3A_52 = arith.constant 1 : i32
    scf.for %scan3A_117 = %scan3A_49 to %scan3A_51 step %scan3A_52  : i32 {
      %mul3A_118 = arith.constant 16 : i32
      %mul3A_119 = arith.muli %scan3A_117, %mul3A_118 : i32
      %get3A = arith.index_cast %mul3A_119 : i32 to index
      %get3A_120 = tpu.vector_load %arg8[%get3A] {strides = array<i32>} : memref<2000xi32, #tpu.memory_space<vmem>>, vector<16xi32>,
      %mul3A_121 = arith.constant 16 : i32
      %mul3A_122 = arith.muli %scan3A_117, %mul3A_121 : i32
      %get3A_123 = arith.index_cast %mul3A_122 : i32 to index
      %get3A_124 = tpu.vector_load %arg9[%get3A_123] {strides = array<i32>} : memref<2000xi32, #tpu.memory_space<vmem>>, vector<16xi32>,
      %mul3A_125 = arith.constant 67 : i32
      %mul3A_126 = vector.broadcast %mul3A_125 : i32 to vector<16xi32>
      %mul3A_127 = arith.muli %get3A_120, %mul3A_126 : vector<16xi32>
      %add3A_128 = arith.addi %mul3A_127, %get3A_124 : vector<16xi32>
      %mul3A_129 = arith.constant 16 : i32
      %mul3A_130 = arith.muli %scan3A_117, %mul3A_129 : i32
      %add3A_131 = arith.constant 8000 : i32
      %add3A_132 = arith.addi %add3A_131, %mul3A_130 : i32
      %add3A_133 = vector.broadcast %add3A_132 : i32 to vector<16xi32>
      %add3A_134 = arith.addi %add3A_133, %iota3A : vector<16xi32>
      tpu.vector_store_idx %arg6[%add3A_128], %add3A_134 : memref<5504xi32, #tpu.memory_space<vmem>>[vector<16xi32>], vector<16xi32>,
    }
    %scan3A_53 = arith.constant 125 : i32
    "tpu.region"() ({
      %run_scoped3A = tpu.sem_alloc : memref<!tpu.dma_semaphore, #tpu.memory_space<semaphore_mem>>
      %dma_start3A_117 = arith.constant 10000 : i32
      %dma_start3A_118 = tpu.memref_slice %arg3[%dma_start3A_117] : memref<20000xi32, #tpu.memory_space<hbm>> -> memref<2000xi32, #tpu.memory_space<hbm>>
      %dma_start3A_119 = arith.constant 10000 : i32
      %dma_start3A_120 = tpu.memref_slice %arg3[%dma_start3A_119] : memref<20000xi32, #tpu.memory_space<hbm>> -> memref<2000xi32, #tpu.memory_space<hbm>>
      tpu.enqueue_dma source(%dma_start3A_120 : memref<2000xi32, #tpu.memory_space<hbm>>) target(%arg8 : memref<2000xi32, #tpu.memory_space<vmem>>) target_semaphore(%run_scoped3A : memref<!tpu.dma_semaphore, #tpu.memory_space<semaphore_mem>>)
      %dma_wait3A_121 = arith.constant 10000 : i32
      %dma_wait3A_122 = tpu.memref_slice %arg3[%dma_wait3A_121] : memref<20000xi32, #tpu.memory_space<hbm>> -> memref<2000xi32, #tpu.memory_space<hbm>>
      %dma_wait3A_123 = arith.constant 10000 : i32
      %dma_wait3A_124 = tpu.memref_slice %arg3[%dma_wait3A_123] : memref<20000xi32, #tpu.memory_space<hbm>> -> memref<2000xi32, #tpu.memory_space<hbm>>
      tpu.wait_dma2 semaphore(%run_scoped3A : memref<!tpu.dma_semaphore, #tpu.memory_space<semaphore_mem>>) src(%dma_wait3A_124 : memref<2000xi32, #tpu.memory_space<hbm>>) dst(%arg8 : memref<2000xi32, #tpu.memory_space<vmem>>)
      tpu.yield
    }) : () -> ()
    "tpu.region"() ({
      %run_scoped3A = tpu.sem_alloc : memref<!tpu.dma_semaphore, #tpu.memory_space<semaphore_mem>>
      %dma_start3A_117 = arith.constant 10000 : i32
      %dma_start3A_118 = tpu.memref_slice %arg4[%dma_start3A_117] : memref<20000xi32, #tpu.memory_space<hbm>> -> memref<2000xi32, #tpu.memory_space<hbm>>
      %dma_start3A_119 = arith.constant 10000 : i32
      %dma_start3A_120 = tpu.memref_slice %arg4[%dma_start3A_119] : memref<20000xi32, #tpu.memory_space<hbm>> -> memref<2000xi32, #tpu.memory_space<hbm>>
      tpu.enqueue_dma source(%dma_start3A_120 : memref<2000xi32, #tpu.memory_space<hbm>>) target(%arg9 : memref<2000xi32, #tpu.memory_space<vmem>>) target_semaphore(%run_scoped3A : memref<!tpu.dma_semaphore, #tpu.memory_space<semaphore_mem>>)
      %dma_wait3A_121 = arith.constant 10000 : i32
      %dma_wait3A_122 = tpu.memref_slice %arg4[%dma_wait3A_121] : memref<20000xi32, #tpu.memory_space<hbm>> -> memref<2000xi32, #tpu.memory_space<hbm>>
      %dma_wait3A_123 = arith.constant 10000 : i32
      %dma_wait3A_124 = tpu.memref_slice %arg4[%dma_wait3A_123] : memref<20000xi32, #tpu.memory_space<hbm>> -> memref<2000xi32, #tpu.memory_space<hbm>>
      tpu.wait_dma2 semaphore(%run_scoped3A : memref<!tpu.dma_semaphore, #tpu.memory_space<semaphore_mem>>) src(%dma_wait3A_124 : memref<2000xi32, #tpu.memory_space<hbm>>) dst(%arg9 : memref<2000xi32, #tpu.memory_space<vmem>>)
      tpu.yield
    }) : () -> ()
    %scan3A_54 = arith.constant 0 : i32
    %scan3A_55 = arith.constant 0 : i32
    %scan3A_56 = arith.constant 125 : i32
    %scan3A_57 = arith.addi %scan3A_55, %scan3A_56 : i32
    %scan3A_58 = arith.constant 1 : i32
    scf.for %scan3A_117 = %scan3A_55 to %scan3A_57 step %scan3A_58  : i32 {
      %mul3A_118 = arith.constant 16 : i32
      %mul3A_119 = arith.muli %scan3A_117, %mul3A_118 : i32
      %get3A = arith.index_cast %mul3A_119 : i32 to index
      %get3A_120 = tpu.vector_load %arg8[%get3A] {strides = array<i32>} : memref<2000xi32, #tpu.memory_space<vmem>>, vector<16xi32>,
      %mul3A_121 = arith.constant 16 : i32
      %mul3A_122 = arith.muli %scan3A_117, %mul3A_121 : i32
      %get3A_123 = arith.index_cast %mul3A_122 : i32 to index
      %get3A_124 = tpu.vector_load %arg9[%get3A_123] {strides = array<i32>} : memref<2000xi32, #tpu.memory_space<vmem>>, vector<16xi32>,
      %mul3A_125 = arith.constant 67 : i32
      %mul3A_126 = vector.broadcast %mul3A_125 : i32 to vector<16xi32>
      %mul3A_127 = arith.muli %get3A_120, %mul3A_126 : vector<16xi32>
      %add3A_128 = arith.addi %mul3A_127, %get3A_124 : vector<16xi32>
      %mul3A_129 = arith.constant 16 : i32
      %mul3A_130 = arith.muli %scan3A_117, %mul3A_129 : i32
      %add3A_131 = arith.constant 10000 : i32
      %add3A_132 = arith.addi %add3A_131, %mul3A_130 : i32
      %add3A_133 = vector.broadcast %add3A_132 : i32 to vector<16xi32>
      %add3A_134 = arith.addi %add3A_133, %iota3A : vector<16xi32>
      tpu.vector_store_idx %arg6[%add3A_128], %add3A_134 : memref<5504xi32, #tpu.memory_space<vmem>>[vector<16xi32>], vector<16xi32>,
    }
    %scan3A_59 = arith.constant 125 : i32
    "tpu.region"() ({
      %run_scoped3A = tpu.sem_alloc : memref<!tpu.dma_semaphore, #tpu.memory_space<semaphore_mem>>
      %dma_start3A_117 = arith.constant 12000 : i32
      %dma_start3A_118 = tpu.memref_slice %arg3[%dma_start3A_117] : memref<20000xi32, #tpu.memory_space<hbm>> -> memref<2000xi32, #tpu.memory_space<hbm>>
      %dma_start3A_119 = arith.constant 12000 : i32
      %dma_start3A_120 = tpu.memref_slice %arg3[%dma_start3A_119] : memref<20000xi32, #tpu.memory_space<hbm>> -> memref<2000xi32, #tpu.memory_space<hbm>>
      tpu.enqueue_dma source(%dma_start3A_120 : memref<2000xi32, #tpu.memory_space<hbm>>) target(%arg8 : memref<2000xi32, #tpu.memory_space<vmem>>) target_semaphore(%run_scoped3A : memref<!tpu.dma_semaphore, #tpu.memory_space<semaphore_mem>>)
      %dma_wait3A_121 = arith.constant 12000 : i32
      %dma_wait3A_122 = tpu.memref_slice %arg3[%dma_wait3A_121] : memref<20000xi32, #tpu.memory_space<hbm>> -> memref<2000xi32, #tpu.memory_space<hbm>>
      %dma_wait3A_123 = arith.constant 12000 : i32
      %dma_wait3A_124 = tpu.memref_slice %arg3[%dma_wait3A_123] : memref<20000xi32, #tpu.memory_space<hbm>> -> memref<2000xi32, #tpu.memory_space<hbm>>
      tpu.wait_dma2 semaphore(%run_scoped3A : memref<!tpu.dma_semaphore, #tpu.memory_space<semaphore_mem>>) src(%dma_wait3A_124 : memref<2000xi32, #tpu.memory_space<hbm>>) dst(%arg8 : memref<2000xi32, #tpu.memory_space<vmem>>)
      tpu.yield
    }) : () -> ()
    "tpu.region"() ({
      %run_scoped3A = tpu.sem_alloc : memref<!tpu.dma_semaphore, #tpu.memory_space<semaphore_mem>>
      %dma_start3A_117 = arith.constant 12000 : i32
      %dma_start3A_118 = tpu.memref_slice %arg4[%dma_start3A_117] : memref<20000xi32, #tpu.memory_space<hbm>> -> memref<2000xi32, #tpu.memory_space<hbm>>
      %dma_start3A_119 = arith.constant 12000 : i32
      %dma_start3A_120 = tpu.memref_slice %arg4[%dma_start3A_119] : memref<20000xi32, #tpu.memory_space<hbm>> -> memref<2000xi32, #tpu.memory_space<hbm>>
      tpu.enqueue_dma source(%dma_start3A_120 : memref<2000xi32, #tpu.memory_space<hbm>>) target(%arg9 : memref<2000xi32, #tpu.memory_space<vmem>>) target_semaphore(%run_scoped3A : memref<!tpu.dma_semaphore, #tpu.memory_space<semaphore_mem>>)
      %dma_wait3A_121 = arith.constant 12000 : i32
      %dma_wait3A_122 = tpu.memref_slice %arg4[%dma_wait3A_121] : memref<20000xi32, #tpu.memory_space<hbm>> -> memref<2000xi32, #tpu.memory_space<hbm>>
      %dma_wait3A_123 = arith.constant 12000 : i32
      %dma_wait3A_124 = tpu.memref_slice %arg4[%dma_wait3A_123] : memref<20000xi32, #tpu.memory_space<hbm>> -> memref<2000xi32, #tpu.memory_space<hbm>>
      tpu.wait_dma2 semaphore(%run_scoped3A : memref<!tpu.dma_semaphore, #tpu.memory_space<semaphore_mem>>) src(%dma_wait3A_124 : memref<2000xi32, #tpu.memory_space<hbm>>) dst(%arg9 : memref<2000xi32, #tpu.memory_space<vmem>>)
      tpu.yield
    }) : () -> ()
    %scan3A_60 = arith.constant 0 : i32
    %scan3A_61 = arith.constant 0 : i32
    %scan3A_62 = arith.constant 125 : i32
    %scan3A_63 = arith.addi %scan3A_61, %scan3A_62 : i32
    %scan3A_64 = arith.constant 1 : i32
    scf.for %scan3A_117 = %scan3A_61 to %scan3A_63 step %scan3A_64  : i32 {
      %mul3A_118 = arith.constant 16 : i32
      %mul3A_119 = arith.muli %scan3A_117, %mul3A_118 : i32
      %get3A = arith.index_cast %mul3A_119 : i32 to index
      %get3A_120 = tpu.vector_load %arg8[%get3A] {strides = array<i32>} : memref<2000xi32, #tpu.memory_space<vmem>>, vector<16xi32>,
      %mul3A_121 = arith.constant 16 : i32
      %mul3A_122 = arith.muli %scan3A_117, %mul3A_121 : i32
      %get3A_123 = arith.index_cast %mul3A_122 : i32 to index
      %get3A_124 = tpu.vector_load %arg9[%get3A_123] {strides = array<i32>} : memref<2000xi32, #tpu.memory_space<vmem>>, vector<16xi32>,
      %mul3A_125 = arith.constant 67 : i32
      %mul3A_126 = vector.broadcast %mul3A_125 : i32 to vector<16xi32>
      %mul3A_127 = arith.muli %get3A_120, %mul3A_126 : vector<16xi32>
      %add3A_128 = arith.addi %mul3A_127, %get3A_124 : vector<16xi32>
      %mul3A_129 = arith.constant 16 : i32
      %mul3A_130 = arith.muli %scan3A_117, %mul3A_129 : i32
      %add3A_131 = arith.constant 12000 : i32
      %add3A_132 = arith.addi %add3A_131, %mul3A_130 : i32
      %add3A_133 = vector.broadcast %add3A_132 : i32 to vector<16xi32>
      %add3A_134 = arith.addi %add3A_133, %iota3A : vector<16xi32>
      tpu.vector_store_idx %arg6[%add3A_128], %add3A_134 : memref<5504xi32, #tpu.memory_space<vmem>>[vector<16xi32>], vector<16xi32>,
    }
    %scan3A_65 = arith.constant 125 : i32
    "tpu.region"() ({
      %run_scoped3A = tpu.sem_alloc : memref<!tpu.dma_semaphore, #tpu.memory_space<semaphore_mem>>
      %dma_start3A_117 = arith.constant 14000 : i32
      %dma_start3A_118 = tpu.memref_slice %arg3[%dma_start3A_117] : memref<20000xi32, #tpu.memory_space<hbm>> -> memref<2000xi32, #tpu.memory_space<hbm>>
      %dma_start3A_119 = arith.constant 14000 : i32
      %dma_start3A_120 = tpu.memref_slice %arg3[%dma_start3A_119] : memref<20000xi32, #tpu.memory_space<hbm>> -> memref<2000xi32, #tpu.memory_space<hbm>>
      tpu.enqueue_dma source(%dma_start3A_120 : memref<2000xi32, #tpu.memory_space<hbm>>) target(%arg8 : memref<2000xi32, #tpu.memory_space<vmem>>) target_semaphore(%run_scoped3A : memref<!tpu.dma_semaphore, #tpu.memory_space<semaphore_mem>>)
      %dma_wait3A_121 = arith.constant 14000 : i32
      %dma_wait3A_122 = tpu.memref_slice %arg3[%dma_wait3A_121] : memref<20000xi32, #tpu.memory_space<hbm>> -> memref<2000xi32, #tpu.memory_space<hbm>>
      %dma_wait3A_123 = arith.constant 14000 : i32
      %dma_wait3A_124 = tpu.memref_slice %arg3[%dma_wait3A_123] : memref<20000xi32, #tpu.memory_space<hbm>> -> memref<2000xi32, #tpu.memory_space<hbm>>
      tpu.wait_dma2 semaphore(%run_scoped3A : memref<!tpu.dma_semaphore, #tpu.memory_space<semaphore_mem>>) src(%dma_wait3A_124 : memref<2000xi32, #tpu.memory_space<hbm>>) dst(%arg8 : memref<2000xi32, #tpu.memory_space<vmem>>)
      tpu.yield
    }) : () -> ()
    "tpu.region"() ({
      %run_scoped3A = tpu.sem_alloc : memref<!tpu.dma_semaphore, #tpu.memory_space<semaphore_mem>>
      %dma_start3A_117 = arith.constant 14000 : i32
      %dma_start3A_118 = tpu.memref_slice %arg4[%dma_start3A_117] : memref<20000xi32, #tpu.memory_space<hbm>> -> memref<2000xi32, #tpu.memory_space<hbm>>
      %dma_start3A_119 = arith.constant 14000 : i32
      %dma_start3A_120 = tpu.memref_slice %arg4[%dma_start3A_119] : memref<20000xi32, #tpu.memory_space<hbm>> -> memref<2000xi32, #tpu.memory_space<hbm>>
      tpu.enqueue_dma source(%dma_start3A_120 : memref<2000xi32, #tpu.memory_space<hbm>>) target(%arg9 : memref<2000xi32, #tpu.memory_space<vmem>>) target_semaphore(%run_scoped3A : memref<!tpu.dma_semaphore, #tpu.memory_space<semaphore_mem>>)
      %dma_wait3A_121 = arith.constant 14000 : i32
      %dma_wait3A_122 = tpu.memref_slice %arg4[%dma_wait3A_121] : memref<20000xi32, #tpu.memory_space<hbm>> -> memref<2000xi32, #tpu.memory_space<hbm>>
      %dma_wait3A_123 = arith.constant 14000 : i32
      %dma_wait3A_124 = tpu.memref_slice %arg4[%dma_wait3A_123] : memref<20000xi32, #tpu.memory_space<hbm>> -> memref<2000xi32, #tpu.memory_space<hbm>>
      tpu.wait_dma2 semaphore(%run_scoped3A : memref<!tpu.dma_semaphore, #tpu.memory_space<semaphore_mem>>) src(%dma_wait3A_124 : memref<2000xi32, #tpu.memory_space<hbm>>) dst(%arg9 : memref<2000xi32, #tpu.memory_space<vmem>>)
      tpu.yield
    }) : () -> ()
    %scan3A_66 = arith.constant 0 : i32
    %scan3A_67 = arith.constant 0 : i32
    %scan3A_68 = arith.constant 125 : i32
    %scan3A_69 = arith.addi %scan3A_67, %scan3A_68 : i32
    %scan3A_70 = arith.constant 1 : i32
    scf.for %scan3A_117 = %scan3A_67 to %scan3A_69 step %scan3A_70  : i32 {
      %mul3A_118 = arith.constant 16 : i32
      %mul3A_119 = arith.muli %scan3A_117, %mul3A_118 : i32
      %get3A = arith.index_cast %mul3A_119 : i32 to index
      %get3A_120 = tpu.vector_load %arg8[%get3A] {strides = array<i32>} : memref<2000xi32, #tpu.memory_space<vmem>>, vector<16xi32>,
      %mul3A_121 = arith.constant 16 : i32
      %mul3A_122 = arith.muli %scan3A_117, %mul3A_121 : i32
      %get3A_123 = arith.index_cast %mul3A_122 : i32 to index
      %get3A_124 = tpu.vector_load %arg9[%get3A_123] {strides = array<i32>} : memref<2000xi32, #tpu.memory_space<vmem>>, vector<16xi32>,
      %mul3A_125 = arith.constant 67 : i32
      %mul3A_126 = vector.broadcast %mul3A_125 : i32 to vector<16xi32>
      %mul3A_127 = arith.muli %get3A_120, %mul3A_126 : vector<16xi32>
      %add3A_128 = arith.addi %mul3A_127, %get3A_124 : vector<16xi32>
      %mul3A_129 = arith.constant 16 : i32
      %mul3A_130 = arith.muli %scan3A_117, %mul3A_129 : i32
      %add3A_131 = arith.constant 14000 : i32
      %add3A_132 = arith.addi %add3A_131, %mul3A_130 : i32
      %add3A_133 = vector.broadcast %add3A_132 : i32 to vector<16xi32>
      %add3A_134 = arith.addi %add3A_133, %iota3A : vector<16xi32>
      tpu.vector_store_idx %arg6[%add3A_128], %add3A_134 : memref<5504xi32, #tpu.memory_space<vmem>>[vector<16xi32>], vector<16xi32>,
    }
    %scan3A_71 = arith.constant 125 : i32
    "tpu.region"() ({
      %run_scoped3A = tpu.sem_alloc : memref<!tpu.dma_semaphore, #tpu.memory_space<semaphore_mem>>
      %dma_start3A_117 = arith.constant 16000 : i32
      %dma_start3A_118 = tpu.memref_slice %arg3[%dma_start3A_117] : memref<20000xi32, #tpu.memory_space<hbm>> -> memref<2000xi32, #tpu.memory_space<hbm>>
      %dma_start3A_119 = arith.constant 16000 : i32
      %dma_start3A_120 = tpu.memref_slice %arg3[%dma_start3A_119] : memref<20000xi32, #tpu.memory_space<hbm>> -> memref<2000xi32, #tpu.memory_space<hbm>>
      tpu.enqueue_dma source(%dma_start3A_120 : memref<2000xi32, #tpu.memory_space<hbm>>) target(%arg8 : memref<2000xi32, #tpu.memory_space<vmem>>) target_semaphore(%run_scoped3A : memref<!tpu.dma_semaphore, #tpu.memory_space<semaphore_mem>>)
      %dma_wait3A_121 = arith.constant 16000 : i32
      %dma_wait3A_122 = tpu.memref_slice %arg3[%dma_wait3A_121] : memref<20000xi32, #tpu.memory_space<hbm>> -> memref<2000xi32, #tpu.memory_space<hbm>>
      %dma_wait3A_123 = arith.constant 16000 : i32
      %dma_wait3A_124 = tpu.memref_slice %arg3[%dma_wait3A_123] : memref<20000xi32, #tpu.memory_space<hbm>> -> memref<2000xi32, #tpu.memory_space<hbm>>
      tpu.wait_dma2 semaphore(%run_scoped3A : memref<!tpu.dma_semaphore, #tpu.memory_space<semaphore_mem>>) src(%dma_wait3A_124 : memref<2000xi32, #tpu.memory_space<hbm>>) dst(%arg8 : memref<2000xi32, #tpu.memory_space<vmem>>)
      tpu.yield
    }) : () -> ()
    "tpu.region"() ({
      %run_scoped3A = tpu.sem_alloc : memref<!tpu.dma_semaphore, #tpu.memory_space<semaphore_mem>>
      %dma_start3A_117 = arith.constant 16000 : i32
      %dma_start3A_118 = tpu.memref_slice %arg4[%dma_start3A_117] : memref<20000xi32, #tpu.memory_space<hbm>> -> memref<2000xi32, #tpu.memory_space<hbm>>
      %dma_start3A_119 = arith.constant 16000 : i32
      %dma_start3A_120 = tpu.memref_slice %arg4[%dma_start3A_119] : memref<20000xi32, #tpu.memory_space<hbm>> -> memref<2000xi32, #tpu.memory_space<hbm>>
      tpu.enqueue_dma source(%dma_start3A_120 : memref<2000xi32, #tpu.memory_space<hbm>>) target(%arg9 : memref<2000xi32, #tpu.memory_space<vmem>>) target_semaphore(%run_scoped3A : memref<!tpu.dma_semaphore, #tpu.memory_space<semaphore_mem>>)
      %dma_wait3A_121 = arith.constant 16000 : i32
      %dma_wait3A_122 = tpu.memref_slice %arg4[%dma_wait3A_121] : memref<20000xi32, #tpu.memory_space<hbm>> -> memref<2000xi32, #tpu.memory_space<hbm>>
      %dma_wait3A_123 = arith.constant 16000 : i32
      %dma_wait3A_124 = tpu.memref_slice %arg4[%dma_wait3A_123] : memref<20000xi32, #tpu.memory_space<hbm>> -> memref<2000xi32, #tpu.memory_space<hbm>>
      tpu.wait_dma2 semaphore(%run_scoped3A : memref<!tpu.dma_semaphore, #tpu.memory_space<semaphore_mem>>) src(%dma_wait3A_124 : memref<2000xi32, #tpu.memory_space<hbm>>) dst(%arg9 : memref<2000xi32, #tpu.memory_space<vmem>>)
      tpu.yield
    }) : () -> ()
    %scan3A_72 = arith.constant 0 : i32
    %scan3A_73 = arith.constant 0 : i32
    %scan3A_74 = arith.constant 125 : i32
    %scan3A_75 = arith.addi %scan3A_73, %scan3A_74 : i32
    %scan3A_76 = arith.constant 1 : i32
    scf.for %scan3A_117 = %scan3A_73 to %scan3A_75 step %scan3A_76  : i32 {
      %mul3A_118 = arith.constant 16 : i32
      %mul3A_119 = arith.muli %scan3A_117, %mul3A_118 : i32
      %get3A = arith.index_cast %mul3A_119 : i32 to index
      %get3A_120 = tpu.vector_load %arg8[%get3A] {strides = array<i32>} : memref<2000xi32, #tpu.memory_space<vmem>>, vector<16xi32>,
      %mul3A_121 = arith.constant 16 : i32
      %mul3A_122 = arith.muli %scan3A_117, %mul3A_121 : i32
      %get3A_123 = arith.index_cast %mul3A_122 : i32 to index
      %get3A_124 = tpu.vector_load %arg9[%get3A_123] {strides = array<i32>} : memref<2000xi32, #tpu.memory_space<vmem>>, vector<16xi32>,
      %mul3A_125 = arith.constant 67 : i32
      %mul3A_126 = vector.broadcast %mul3A_125 : i32 to vector<16xi32>
      %mul3A_127 = arith.muli %get3A_120, %mul3A_126 : vector<16xi32>
      %add3A_128 = arith.addi %mul3A_127, %get3A_124 : vector<16xi32>
      %mul3A_129 = arith.constant 16 : i32
      %mul3A_130 = arith.muli %scan3A_117, %mul3A_129 : i32
      %add3A_131 = arith.constant 16000 : i32
      %add3A_132 = arith.addi %add3A_131, %mul3A_130 : i32
      %add3A_133 = vector.broadcast %add3A_132 : i32 to vector<16xi32>
      %add3A_134 = arith.addi %add3A_133, %iota3A : vector<16xi32>
      tpu.vector_store_idx %arg6[%add3A_128], %add3A_134 : memref<5504xi32, #tpu.memory_space<vmem>>[vector<16xi32>], vector<16xi32>,
    }
    %scan3A_77 = arith.constant 125 : i32
    "tpu.region"() ({
      %run_scoped3A = tpu.sem_alloc : memref<!tpu.dma_semaphore, #tpu.memory_space<semaphore_mem>>
      %dma_start3A_117 = arith.constant 18000 : i32
      %dma_start3A_118 = tpu.memref_slice %arg3[%dma_start3A_117] : memref<20000xi32, #tpu.memory_space<hbm>> -> memref<2000xi32, #tpu.memory_space<hbm>>
      %dma_start3A_119 = arith.constant 18000 : i32
      %dma_start3A_120 = tpu.memref_slice %arg3[%dma_start3A_119] : memref<20000xi32, #tpu.memory_space<hbm>> -> memref<2000xi32, #tpu.memory_space<hbm>>
      tpu.enqueue_dma source(%dma_start3A_120 : memref<2000xi32, #tpu.memory_space<hbm>>) target(%arg8 : memref<2000xi32, #tpu.memory_space<vmem>>) target_semaphore(%run_scoped3A : memref<!tpu.dma_semaphore, #tpu.memory_space<semaphore_mem>>)
      %dma_wait3A_121 = arith.constant 18000 : i32
      %dma_wait3A_122 = tpu.memref_slice %arg3[%dma_wait3A_121] : memref<20000xi32, #tpu.memory_space<hbm>> -> memref<2000xi32, #tpu.memory_space<hbm>>
      %dma_wait3A_123 = arith.constant 18000 : i32
      %dma_wait3A_124 = tpu.memref_slice %arg3[%dma_wait3A_123] : memref<20000xi32, #tpu.memory_space<hbm>> -> memref<2000xi32, #tpu.memory_space<hbm>>
      tpu.wait_dma2 semaphore(%run_scoped3A : memref<!tpu.dma_semaphore, #tpu.memory_space<semaphore_mem>>) src(%dma_wait3A_124 : memref<2000xi32, #tpu.memory_space<hbm>>) dst(%arg8 : memref<2000xi32, #tpu.memory_space<vmem>>)
      tpu.yield
    }) : () -> ()
    "tpu.region"() ({
      %run_scoped3A = tpu.sem_alloc : memref<!tpu.dma_semaphore, #tpu.memory_space<semaphore_mem>>
      %dma_start3A_117 = arith.constant 18000 : i32
      %dma_start3A_118 = tpu.memref_slice %arg4[%dma_start3A_117] : memref<20000xi32, #tpu.memory_space<hbm>> -> memref<2000xi32, #tpu.memory_space<hbm>>
      %dma_start3A_119 = arith.constant 18000 : i32
      %dma_start3A_120 = tpu.memref_slice %arg4[%dma_start3A_119] : memref<20000xi32, #tpu.memory_space<hbm>> -> memref<2000xi32, #tpu.memory_space<hbm>>
      tpu.enqueue_dma source(%dma_start3A_120 : memref<2000xi32, #tpu.memory_space<hbm>>) target(%arg9 : memref<2000xi32, #tpu.memory_space<vmem>>) target_semaphore(%run_scoped3A : memref<!tpu.dma_semaphore, #tpu.memory_space<semaphore_mem>>)
      %dma_wait3A_121 = arith.constant 18000 : i32
      %dma_wait3A_122 = tpu.memref_slice %arg4[%dma_wait3A_121] : memref<20000xi32, #tpu.memory_space<hbm>> -> memref<2000xi32, #tpu.memory_space<hbm>>
      %dma_wait3A_123 = arith.constant 18000 : i32
      %dma_wait3A_124 = tpu.memref_slice %arg4[%dma_wait3A_123] : memref<20000xi32, #tpu.memory_space<hbm>> -> memref<2000xi32, #tpu.memory_space<hbm>>
      tpu.wait_dma2 semaphore(%run_scoped3A : memref<!tpu.dma_semaphore, #tpu.memory_space<semaphore_mem>>) src(%dma_wait3A_124 : memref<2000xi32, #tpu.memory_space<hbm>>) dst(%arg9 : memref<2000xi32, #tpu.memory_space<vmem>>)
      tpu.yield
    }) : () -> ()
    %scan3A_78 = arith.constant 0 : i32
    %scan3A_79 = arith.constant 0 : i32
    %scan3A_80 = arith.constant 125 : i32
    %scan3A_81 = arith.addi %scan3A_79, %scan3A_80 : i32
    %scan3A_82 = arith.constant 1 : i32
    scf.for %scan3A_117 = %scan3A_79 to %scan3A_81 step %scan3A_82  : i32 {
      %mul3A_118 = arith.constant 16 : i32
      %mul3A_119 = arith.muli %scan3A_117, %mul3A_118 : i32
      %get3A = arith.index_cast %mul3A_119 : i32 to index
      %get3A_120 = tpu.vector_load %arg8[%get3A] {strides = array<i32>} : memref<2000xi32, #tpu.memory_space<vmem>>, vector<16xi32>,
      %mul3A_121 = arith.constant 16 : i32
      %mul3A_122 = arith.muli %scan3A_117, %mul3A_121 : i32
      %get3A_123 = arith.index_cast %mul3A_122 : i32 to index
      %get3A_124 = tpu.vector_load %arg9[%get3A_123] {strides = array<i32>} : memref<2000xi32, #tpu.memory_space<vmem>>, vector<16xi32>,
      %mul3A_125 = arith.constant 67 : i32
      %mul3A_126 = vector.broadcast %mul3A_125 : i32 to vector<16xi32>
      %mul3A_127 = arith.muli %get3A_120, %mul3A_126 : vector<16xi32>
      %add3A_128 = arith.addi %mul3A_127, %get3A_124 : vector<16xi32>
      %mul3A_129 = arith.constant 16 : i32
      %mul3A_130 = arith.muli %scan3A_117, %mul3A_129 : i32
      %add3A_131 = arith.constant 18000 : i32
      %add3A_132 = arith.addi %add3A_131, %mul3A_130 : i32
      %add3A_133 = vector.broadcast %add3A_132 : i32 to vector<16xi32>
      %add3A_134 = arith.addi %add3A_133, %iota3A : vector<16xi32>
      tpu.vector_store_idx %arg6[%add3A_128], %add3A_134 : memref<5504xi32, #tpu.memory_space<vmem>>[vector<16xi32>], vector<16xi32>,
    }
    %scan3A_83 = arith.constant 125 : i32
    %scan3A_84 = arith.constant 0 : i32
    %scan3A_85 = arith.constant 0 : i32
    %scan3A_86 = arith.constant 344 : i32
    %scan3A_87 = arith.addi %scan3A_85, %scan3A_86 : i32
    %scan3A_88 = arith.constant 1 : i32
    scf.for %scan3A_117 = %scan3A_85 to %scan3A_87 step %scan3A_88  : i32 {
      %mul3A_118 = arith.constant 16 : i32
      %mul3A_119 = arith.muli %scan3A_117, %mul3A_118 : i32
      %get3A = arith.index_cast %mul3A_119 : i32 to index
      %get3A_120 = tpu.vector_load %arg6[%get3A] {strides = array<i32>} : memref<5504xi32, #tpu.memory_space<vmem>>, vector<16xi32>,
      %ge3A = arith.constant 0 : i32
      %ge3A_121 = vector.broadcast %ge3A : i32 to vector<16xi32>
      %ge3A_122 = arith.cmpi sge, %get3A_120, %ge3A_121 : vector<16xi32>
      %broadcast_in_dim3A_123 = arith.constant 0 : i32
      %broadcast_in_dim3A_124 = vector.broadcast %broadcast_in_dim3A_123 : i32 to vector<16xi32>
      %max3A = arith.maxsi %get3A_120, %broadcast_in_dim3A_124 : vector<16xi32>
      %swap3A = arith.index_cast %mul3A_119 : i32 to index
      %swap3A_125 = tpu.vector_load %arg6[%swap3A] {strides = array<i32>} : memref<5504xi32, #tpu.memory_space<vmem>>, vector<16xi32>,
      tpu.vector_store %arg6[%swap3A], %max3A {strides = array<i32>} : memref<5504xi32, #tpu.memory_space<vmem>>, vector<16xi32>,
      %broadcast_in_dim3A_126 = arith.constant 1.000000e+00 : f32
      %broadcast_in_dim3A_127 = vector.broadcast %broadcast_in_dim3A_126 : f32 to vector<16xf32>
      %broadcast_in_dim3A_128 = arith.constant 0.000000e+00 : f32
      %broadcast_in_dim3A_129 = vector.broadcast %broadcast_in_dim3A_128 : f32 to vector<16xf32>
      %select_n3A = arith.select %ge3A_122, %broadcast_in_dim3A_127, %broadcast_in_dim3A_129 : vector<16xi1>, vector<16xf32>
      %swap3A_130 = arith.index_cast %mul3A_119 : i32 to index
      %swap3A_131 = tpu.vector_load %arg7[%swap3A_130] {strides = array<i32>} : memref<5504xf32, #tpu.memory_space<vmem>>, vector<16xf32>,
      tpu.vector_store %arg7[%swap3A_130], %select_n3A {strides = array<i32>} : memref<5504xf32, #tpu.memory_space<vmem>>, vector<16xf32>,
    }
    %scan3A_89 = arith.constant 344 : i32
    %scan3A_90 = arith.constant 0 : i32
    %scan3A_91 = arith.constant 16 : i32
    %scan3A_92 = arith.addi %scan3A_90, %scan3A_91 : i32
    %scan3A_93 = arith.constant 1 : i32
    scf.for %scan3A_117 = %scan3A_90 to %scan3A_92 step %scan3A_93  : i32 {
      %mul3A_118 = arith.constant 2 : i32
      %mul3A_119 = arith.muli %scan3A_117, %mul3A_118 : i32
      %add3A_120 = arith.constant 0 : i32
      %add3A_121 = arith.addi %add3A_120, %mul3A_119 : i32
      %add3A_122 = arith.constant 0 : i32
      %add3A_123 = arith.addi %add3A_121, %add3A_122 : i32
      %add3A_124 = arith.addi %mul3A_2, %add3A_123 : i32
      %ge3A = arith.constant 2 : i32
      %ge3A_125 = arith.cmpi sge, %add3A_123, %ge3A : i32
      %convert_element_type3A = arith.extui %ge3A_125 : i1 to i32
      %cond3A = arith.constant 0 : i32
      %cond3A_126 = arith.cmpi ne, %convert_element_type3A, %cond3A : i32
      scf.if %cond3A_126 {
        %sub3A_184 = arith.constant 2 : i32
        %sub3A_185 = arith.subi %add3A_124, %sub3A_184 : i32
        %dma_wait3A_186 = arith.constant 0 : i32
        %dma_wait3A_187 = tpu.memref_slice %arg5[%sub3A_185, %dma_wait3A_186] : memref<1024x5504xf32, #tpu.memory_space<hbm>> -> memref<1x5504xf32, #tpu.memory_space<hbm>>
        %dma_wait3A_188 = tpu.memref_squeeze %dma_wait3A_187 : memref<1x5504xf32, #tpu.memory_space<hbm>> -> memref<5504xf32, #tpu.memory_space<hbm>>
        %dma_wait3A_189 = arith.constant 0 : i32
        %dma_wait3A_190 = tpu.memref_slice %arg5[%sub3A_185, %dma_wait3A_189] : memref<1024x5504xf32, #tpu.memory_space<hbm>> -> memref<1x5504xf32, #tpu.memory_space<hbm>>
        %dma_wait3A_191 = tpu.memref_squeeze %dma_wait3A_190 : memref<1x5504xf32, #tpu.memory_space<hbm>> -> memref<5504xf32, #tpu.memory_space<hbm>>
        tpu.wait_dma2 semaphore(%arg16 : memref<!tpu.dma_semaphore, #tpu.memory_space<semaphore_mem>>) src(%arg12 : memref<5504xf32, #tpu.memory_space<vmem>>) dst(%dma_wait3A_191 : memref<5504xf32, #tpu.memory_space<hbm>>)
      } else {
      }
      %dma_wait3A_127 = arith.constant 0 : i32
      %dma_wait3A_128 = tpu.memref_slice %arg2[%add3A_124, %dma_wait3A_127] : memref<1024x20000xf32, #tpu.memory_space<hbm>> -> memref<1x20000xf32, #tpu.memory_space<hbm>>
      %dma_wait3A_129 = tpu.memref_squeeze %dma_wait3A_128 : memref<1x20000xf32, #tpu.memory_space<hbm>> -> memref<20000xf32, #tpu.memory_space<hbm>>
      %dma_wait3A_130 = arith.constant 0 : i32
      %dma_wait3A_131 = tpu.memref_slice %arg2[%add3A_124, %dma_wait3A_130] : memref<1024x20000xf32, #tpu.memory_space<hbm>> -> memref<1x20000xf32, #tpu.memory_space<hbm>>
      %dma_wait3A_132 = tpu.memref_squeeze %dma_wait3A_131 : memref<1x20000xf32, #tpu.memory_space<hbm>> -> memref<20000xf32, #tpu.memory_space<hbm>>
      tpu.wait_dma2 semaphore(%arg14 : memref<!tpu.dma_semaphore, #tpu.memory_space<semaphore_mem>>) src(%dma_wait3A_132 : memref<20000xf32, #tpu.memory_space<hbm>>) dst(%arg10 : memref<20000xf32, #tpu.memory_space<vmem>>)
      %scan3A_133 = arith.constant 0 : i32
      %scan3A_134 = arith.constant 0 : i32
      %scan3A_135 = arith.constant 344 : i32
      %scan3A_136 = arith.addi %scan3A_134, %scan3A_135 : i32
      %scan3A_137 = arith.constant 1 : i32
      scf.for %scan3A_184 = %scan3A_134 to %scan3A_136 step %scan3A_137  : i32 {
        %mul3A_185 = arith.constant 16 : i32
        %mul3A_186 = arith.muli %scan3A_184, %mul3A_185 : i32
        %get3A = arith.index_cast %mul3A_186 : i32 to index
        %get3A_187 = tpu.vector_load %arg6[%get3A] {strides = array<i32>} : memref<5504xi32, #tpu.memory_space<vmem>>, vector<16xi32>,
        %gather3A = tpu.vector_load_idx %arg10[%get3A_187] : memref<20000xf32, #tpu.memory_space<vmem>>[vector<16xi32>], vector<16xf32>,
        %get3A_188 = arith.index_cast %mul3A_186 : i32 to index
        %get3A_189 = tpu.vector_load %arg7[%get3A_188] {strides = array<i32>} : memref<5504xf32, #tpu.memory_space<vmem>>, vector<16xf32>,
        %mul3A_190 = arith.mulf %gather3A, %get3A_189 : vector<16xf32>
        %swap3A = arith.index_cast %mul3A_186 : i32 to index
        %swap3A_191 = tpu.vector_load %arg12[%swap3A] {strides = array<i32>} : memref<5504xf32, #tpu.memory_space<vmem>>, vector<16xf32>,
        tpu.vector_store %arg12[%swap3A], %mul3A_190 {strides = array<i32>} : memref<5504xf32, #tpu.memory_space<vmem>>, vector<16xf32>,
      }
      %scan3A_138 = arith.constant 344 : i32
      %dma_start3A_139 = arith.constant 0 : i32
      %dma_start3A_140 = tpu.memref_slice %arg5[%add3A_124, %dma_start3A_139] : memref<1024x5504xf32, #tpu.memory_space<hbm>> -> memref<1x5504xf32, #tpu.memory_space<hbm>>
      %dma_start3A_141 = tpu.memref_squeeze %dma_start3A_140 : memref<1x5504xf32, #tpu.memory_space<hbm>> -> memref<5504xf32, #tpu.memory_space<hbm>>
      %dma_start3A_142 = arith.constant 0 : i32
      %dma_start3A_143 = tpu.memref_slice %arg5[%add3A_124, %dma_start3A_142] : memref<1024x5504xf32, #tpu.memory_space<hbm>> -> memref<1x5504xf32, #tpu.memory_space<hbm>>
      %dma_start3A_144 = tpu.memref_squeeze %dma_start3A_143 : memref<1x5504xf32, #tpu.memory_space<hbm>> -> memref<5504xf32, #tpu.memory_space<hbm>>
      tpu.enqueue_dma source(%arg12 : memref<5504xf32, #tpu.memory_space<vmem>>) target(%dma_start3A_144 : memref<5504xf32, #tpu.memory_space<hbm>>) target_semaphore(%arg16 : memref<!tpu.dma_semaphore, #tpu.memory_space<semaphore_mem>>)
      %add3A_145 = arith.constant 2 : i32
      %add3A_146 = arith.addi %add3A_123, %add3A_145 : i32
      %lt3A = arith.constant 32 : i32
      %lt3A_147 = arith.cmpi slt, %add3A_146, %lt3A : i32
      %convert_element_type3A_148 = arith.extui %lt3A_147 : i1 to i32
      %cond3A_149 = arith.constant 0 : i32
      %cond3A_150 = arith.cmpi ne, %convert_element_type3A_148, %cond3A_149 : i32
      scf.if %cond3A_150 {
        %add3A_184 = arith.constant 2 : i32
        %add3A_185 = arith.addi %add3A_124, %add3A_184 : i32
        %dma_start3A_186 = arith.constant 0 : i32
        %dma_start3A_187 = tpu.memref_slice %arg2[%add3A_185, %dma_start3A_186] : memref<1024x20000xf32, #tpu.memory_space<hbm>> -> memref<1x20000xf32, #tpu.memory_space<hbm>>
        %dma_start3A_188 = tpu.memref_squeeze %dma_start3A_187 : memref<1x20000xf32, #tpu.memory_space<hbm>> -> memref<20000xf32, #tpu.memory_space<hbm>>
        %dma_start3A_189 = arith.constant 0 : i32
        %dma_start3A_190 = tpu.memref_slice %arg2[%add3A_185, %dma_start3A_189] : memref<1024x20000xf32, #tpu.memory_space<hbm>> -> memref<1x20000xf32, #tpu.memory_space<hbm>>
        %dma_start3A_191 = tpu.memref_squeeze %dma_start3A_190 : memref<1x20000xf32, #tpu.memory_space<hbm>> -> memref<20000xf32, #tpu.memory_space<hbm>>
        tpu.enqueue_dma source(%dma_start3A_191 : memref<20000xf32, #tpu.memory_space<hbm>>) target(%arg10 : memref<20000xf32, #tpu.memory_space<vmem>>) target_semaphore(%arg14 : memref<!tpu.dma_semaphore, #tpu.memory_space<semaphore_mem>>)
      } else {
      }
      %add3A_151 = arith.constant 1 : i32
      %add3A_152 = arith.addi %add3A_121, %add3A_151 : i32
      %add3A_153 = arith.addi %mul3A_2, %add3A_152 : i32
      %ge3A_154 = arith.constant 2 : i32
      %ge3A_155 = arith.cmpi sge, %add3A_152, %ge3A_154 : i32
      %convert_element_type3A_156 = arith.extui %ge3A_155 : i1 to i32
      %cond3A_157 = arith.constant 0 : i32
      %cond3A_158 = arith.cmpi ne, %convert_element_type3A_156, %cond3A_157 : i32
      scf.if %cond3A_158 {
        %sub3A_184 = arith.constant 2 : i32
        %sub3A_185 = arith.subi %add3A_153, %sub3A_184 : i32
        %dma_wait3A_186 = arith.constant 0 : i32
        %dma_wait3A_187 = tpu.memref_slice %arg5[%sub3A_185, %dma_wait3A_186] : memref<1024x5504xf32, #tpu.memory_space<hbm>> -> memref<1x5504xf32, #tpu.memory_space<hbm>>
        %dma_wait3A_188 = tpu.memref_squeeze %dma_wait3A_187 : memref<1x5504xf32, #tpu.memory_space<hbm>> -> memref<5504xf32, #tpu.memory_space<hbm>>
        %dma_wait3A_189 = arith.constant 0 : i32
        %dma_wait3A_190 = tpu.memref_slice %arg5[%sub3A_185, %dma_wait3A_189] : memref<1024x5504xf32, #tpu.memory_space<hbm>> -> memref<1x5504xf32, #tpu.memory_space<hbm>>
        %dma_wait3A_191 = tpu.memref_squeeze %dma_wait3A_190 : memref<1x5504xf32, #tpu.memory_space<hbm>> -> memref<5504xf32, #tpu.memory_space<hbm>>
        tpu.wait_dma2 semaphore(%arg17 : memref<!tpu.dma_semaphore, #tpu.memory_space<semaphore_mem>>) src(%arg13 : memref<5504xf32, #tpu.memory_space<vmem>>) dst(%dma_wait3A_191 : memref<5504xf32, #tpu.memory_space<hbm>>)
      } else {
      }
      %dma_wait3A_159 = arith.constant 0 : i32
      %dma_wait3A_160 = tpu.memref_slice %arg2[%add3A_153, %dma_wait3A_159] : memref<1024x20000xf32, #tpu.memory_space<hbm>> -> memref<1x20000xf32, #tpu.memory_space<hbm>>
      %dma_wait3A_161 = tpu.memref_squeeze %dma_wait3A_160 : memref<1x20000xf32, #tpu.memory_space<hbm>> -> memref<20000xf32, #tpu.memory_space<hbm>>
      %dma_wait3A_162 = arith.constant 0 : i32
      %dma_wait3A_163 = tpu.memref_slice %arg2[%add3A_153, %dma_wait3A_162] : memref<1024x20000xf32, #tpu.memory_space<hbm>> -> memref<1x20000xf32, #tpu.memory_space<hbm>>
      %dma_wait3A_164 = tpu.memref_squeeze %dma_wait3A_163 : memref<1x20000xf32, #tpu.memory_space<hbm>> -> memref<20000xf32, #tpu.memory_space<hbm>>
      tpu.wait_dma2 semaphore(%arg15 : memref<!tpu.dma_semaphore, #tpu.memory_space<semaphore_mem>>) src(%dma_wait3A_164 : memref<20000xf32, #tpu.memory_space<hbm>>) dst(%arg11 : memref<20000xf32, #tpu.memory_space<vmem>>)
      %scan3A_165 = arith.constant 0 : i32
      %scan3A_166 = arith.constant 0 : i32
      %scan3A_167 = arith.constant 344 : i32
      %scan3A_168 = arith.addi %scan3A_166, %scan3A_167 : i32
      %scan3A_169 = arith.constant 1 : i32
      scf.for %scan3A_184 = %scan3A_166 to %scan3A_168 step %scan3A_169  : i32 {
        %mul3A_185 = arith.constant 16 : i32
        %mul3A_186 = arith.muli %scan3A_184, %mul3A_185 : i32
        %get3A = arith.index_cast %mul3A_186 : i32 to index
        %get3A_187 = tpu.vector_load %arg6[%get3A] {strides = array<i32>} : memref<5504xi32, #tpu.memory_space<vmem>>, vector<16xi32>,
        %gather3A = tpu.vector_load_idx %arg11[%get3A_187] : memref<20000xf32, #tpu.memory_space<vmem>>[vector<16xi32>], vector<16xf32>,
        %get3A_188 = arith.index_cast %mul3A_186 : i32 to index
        %get3A_189 = tpu.vector_load %arg7[%get3A_188] {strides = array<i32>} : memref<5504xf32, #tpu.memory_space<vmem>>, vector<16xf32>,
        %mul3A_190 = arith.mulf %gather3A, %get3A_189 : vector<16xf32>
        %swap3A = arith.index_cast %mul3A_186 : i32 to index
        %swap3A_191 = tpu.vector_load %arg13[%swap3A] {strides = array<i32>} : memref<5504xf32, #tpu.memory_space<vmem>>, vector<16xf32>,
        tpu.vector_store %arg13[%swap3A], %mul3A_190 {strides = array<i32>} : memref<5504xf32, #tpu.memory_space<vmem>>, vector<16xf32>,
      }
      %scan3A_170 = arith.constant 344 : i32
      %dma_start3A_171 = arith.constant 0 : i32
      %dma_start3A_172 = tpu.memref_slice %arg5[%add3A_153, %dma_start3A_171] : memref<1024x5504xf32, #tpu.memory_space<hbm>> -> memref<1x5504xf32, #tpu.memory_space<hbm>>
      %dma_start3A_173 = tpu.memref_squeeze %dma_start3A_172 : memref<1x5504xf32, #tpu.memory_space<hbm>> -> memref<5504xf32, #tpu.memory_space<hbm>>
      %dma_start3A_174 = arith.constant 0 : i32
      %dma_start3A_175 = tpu.memref_slice %arg5[%add3A_153, %dma_start3A_174] : memref<1024x5504xf32, #tpu.memory_space<hbm>> -> memref<1x5504xf32, #tpu.memory_space<hbm>>
      %dma_start3A_176 = tpu.memref_squeeze %dma_start3A_175 : memref<1x5504xf32, #tpu.memory_space<hbm>> -> memref<5504xf32, #tpu.memory_space<hbm>>
      tpu.enqueue_dma source(%arg13 : memref<5504xf32, #tpu.memory_space<vmem>>) target(%dma_start3A_176 : memref<5504xf32, #tpu.memory_space<hbm>>) target_semaphore(%arg17 : memref<!tpu.dma_semaphore, #tpu.memory_space<semaphore_mem>>)
      %add3A_177 = arith.constant 2 : i32
      %add3A_178 = arith.addi %add3A_152, %add3A_177 : i32
      %lt3A_179 = arith.constant 32 : i32
      %lt3A_180 = arith.cmpi slt, %add3A_178, %lt3A_179 : i32
      %convert_element_type3A_181 = arith.extui %lt3A_180 : i1 to i32
      %cond3A_182 = arith.constant 0 : i32
      %cond3A_183 = arith.cmpi ne, %convert_element_type3A_181, %cond3A_182 : i32
      scf.if %cond3A_183 {
        %add3A_184 = arith.constant 2 : i32
        %add3A_185 = arith.addi %add3A_153, %add3A_184 : i32
        %dma_start3A_186 = arith.constant 0 : i32
        %dma_start3A_187 = tpu.memref_slice %arg2[%add3A_185, %dma_start3A_186] : memref<1024x20000xf32, #tpu.memory_space<hbm>> -> memref<1x20000xf32, #tpu.memory_space<hbm>>
        %dma_start3A_188 = tpu.memref_squeeze %dma_start3A_187 : memref<1x20000xf32, #tpu.memory_space<hbm>> -> memref<20000xf32, #tpu.memory_space<hbm>>
        %dma_start3A_189 = arith.constant 0 : i32
        %dma_start3A_190 = tpu.memref_slice %arg2[%add3A_185, %dma_start3A_189] : memref<1024x20000xf32, #tpu.memory_space<hbm>> -> memref<1x20000xf32, #tpu.memory_space<hbm>>
        %dma_start3A_191 = tpu.memref_squeeze %dma_start3A_190 : memref<1x20000xf32, #tpu.memory_space<hbm>> -> memref<20000xf32, #tpu.memory_space<hbm>>
        tpu.enqueue_dma source(%dma_start3A_191 : memref<20000xf32, #tpu.memory_space<hbm>>) target(%arg11 : memref<20000xf32, #tpu.memory_space<vmem>>) target_semaphore(%arg15 : memref<!tpu.dma_semaphore, #tpu.memory_space<semaphore_mem>>)
      } else {
      }
    }
    %scan3A_94 = arith.constant 16 : i32
    %add3A_95 = arith.constant 32 : i32
    %add3A_96 = arith.addi %mul3A_2, %add3A_95 : i32
    %sub3A = arith.constant 2 : i32
    %sub3A_97 = arith.subi %add3A_96, %sub3A : i32
    %add3A_98 = arith.constant 0 : i32
    %add3A_99 = arith.addi %sub3A_97, %add3A_98 : i32
    %dma_wait3A = arith.constant 0 : i32
    %dma_wait3A_100 = tpu.memref_slice %arg5[%add3A_99, %dma_wait3A] : memref<1024x5504xf32, #tpu.memory_space<hbm>> -> memref<1x5504xf32, #tpu.memory_space<hbm>>
    %dma_wait3A_101 = tpu.memref_squeeze %dma_wait3A_100 : memref<1x5504xf32, #tpu.memory_space<hbm>> -> memref<5504xf32, #tpu.memory_space<hbm>>
    %dma_wait3A_102 = arith.constant 0 : i32
    %dma_wait3A_103 = tpu.memref_slice %arg5[%add3A_99, %dma_wait3A_102] : memref<1024x5504xf32, #tpu.memory_space<hbm>> -> memref<1x5504xf32, #tpu.memory_space<hbm>>
    %dma_wait3A_104 = tpu.memref_squeeze %dma_wait3A_103 : memref<1x5504xf32, #tpu.memory_space<hbm>> -> memref<5504xf32, #tpu.memory_space<hbm>>
    tpu.wait_dma2 semaphore(%arg16 : memref<!tpu.dma_semaphore, #tpu.memory_space<semaphore_mem>>) src(%arg12 : memref<5504xf32, #tpu.memory_space<vmem>>) dst(%dma_wait3A_104 : memref<5504xf32, #tpu.memory_space<hbm>>)
    %add3A_105 = arith.constant 32 : i32
    %add3A_106 = arith.addi %mul3A_2, %add3A_105 : i32
    %sub3A_107 = arith.constant 2 : i32
    %sub3A_108 = arith.subi %add3A_106, %sub3A_107 : i32
    %add3A_109 = arith.constant 1 : i32
    %add3A_110 = arith.addi %sub3A_108, %add3A_109 : i32
    %dma_wait3A_111 = arith.constant 0 : i32
    %dma_wait3A_112 = tpu.memref_slice %arg5[%add3A_110, %dma_wait3A_111] : memref<1024x5504xf32, #tpu.memory_space<hbm>> -> memref<1x5504xf32, #tpu.memory_space<hbm>>
    %dma_wait3A_113 = tpu.memref_squeeze %dma_wait3A_112 : memref<1x5504xf32, #tpu.memory_space<hbm>> -> memref<5504xf32, #tpu.memory_space<hbm>>
    %dma_wait3A_114 = arith.constant 0 : i32
    %dma_wait3A_115 = tpu.memref_slice %arg5[%add3A_110, %dma_wait3A_114] : memref<1024x5504xf32, #tpu.memory_space<hbm>> -> memref<1x5504xf32, #tpu.memory_space<hbm>>
    %dma_wait3A_116 = tpu.memref_squeeze %dma_wait3A_115 : memref<1x5504xf32, #tpu.memory_space<hbm>> -> memref<5504xf32, #tpu.memory_space<hbm>>
    tpu.wait_dma2 semaphore(%arg17 : memref<!tpu.dma_semaphore, #tpu.memory_space<semaphore_mem>>) src(%arg13 : memref<5504xf32, #tpu.memory_space<vmem>>) dst(%dma_wait3A_116 : memref<5504xf32, #tpu.memory_space<hbm>>)
    return
  }
}

</mosaic_0001>

<sc_bundles>
// kernel: kernel.3.cloned.1.call-start
scs
__scs_entry_jumppad:
0x0: {  	(pc) =	sbr.rel $0x88, $3  }
0x1: {  	(tag) =	ssettag $0x0;
	lr =	simm.s32 $0x1  }
0x2: {  	[smem:$0x3F9E] =	sst lr;
	_ =	strace $0xD0000000  }
0x3: {  	_ = 	snop  }
0x4: {  	_ = 	snop  }
0x5: {  	_ = 	snop  }
0x6: {  	_ = 	snop  }
0x7: {  	_ = 	snop  }
__scs_overlays_trampoline_lowered:
0x8: {  	[smem:$0x3FAD] =	sst s0  }
0x9: {  	[smem:$0x3FAE] =	sst s1  }
0xa: {  	[smem:$0x3FAF] =	sst s2  }
0xb: {  	[smem:$0x3FB0] =	sst s3  }
0xc: {  	[smem:$0x3FB1] =	sst s4  }
0xd: {  	[smem:$0x3FB2] =	sst s5  }
0xe: {  	[smem:$0x3FB3] =	sst s6  }
0xf: {  	[smem:$0x3FB4] =	sst s7  }
0x10: {  	[smem:$0x3FB5] =	sst s8  }
0x11: {  	[smem:$0x3FB6] =	sst s9;
	s0 =	simm.s32 @!p0 $0x0  }
0x12: {  	s1 =	sld [smem:$0x3F9C];
	s0 =	simm.s32 @p0 $0x1  }
0x13: {  	[smem:$0x3FB7] =	sst s0;
	s0 =	simm.s32 @!p1 $0x0  }
0x14: {  	s2 =	sld [smem:$0x3F9B];
	s0 =	simm.s32 @p1 $0x1  }
0x15: {  	[smem:$0x3FB8] =	sst s0;
	s0 =	simm.s32 @!p2 $0x0  }
0x16: {  	s3 =	sld [smem:$0x3FDB];
	s0 =	simm.s32 @p2 $0x1  }
0x17: {  	s4 =	simm.s32 $0x1BF5;
	[smem:$0x3FBA] =	sst s0  }
0x18: {  	s0 =	sld [smem:$0x3F9D];
	_ =	swait.ge [sflag:s4], $0x0  }
0x19: {  	s7 =	sld [smem:$0x3F9E]  }
0x1a: {  	s8 =	sadd.s32 $0xFFFFE003, lr  }
0x1b: {  	s9 =	sadd.s32 $0xFFFFFEF7, lr;
	s5 =	simm.s32 $0xFFFFFFFF;
	p2 =	slt.u32 s8, $0xFFFFF086  }
0x1c: {  	p1 =	slt.u32 s9, $0xF7A;
	s5 =	simm.s32 @!p2 $0x0  }
0x1d: {  	s5 =	simm.s32 @p1 $0x1;
	p0 =	seq.s32 s7, s2  }
0x1e: {  	s7 =	smul.u32 @!p0 $0xF7A, s2;
	p2 =	seq.s32 @!p0 s5, $0x0  }
0x1f: {  	s9 =	smul.u32 $0xF7A, s1;
	s8 =	simm.s32 @!p0 $0x1BF5;
	p2 =	por !p2, p0  }
0x20: {  	[sflag:s8] =	ssyncset.s32 @!p0 $0xFFFFF086;
	s6 =	sadd.s32 @!p0 s3, s7;
	s7 =	simm.s32 @!p0 $0x108  }
0x21: {  	s3 =	sadd.s32 s3, s9;
	s6 =	sadd.s32 @!p0 $0x88, s6;
	s7 =	simm.s32 @p2 $0x1082  }
0x22: {  	[simem:s7], [sflag:s8] =	dma.local @!p0 [hbm:s6], $0xF7A  }
0x23: {  	s9 =	sor.u32 $0xD0000000, s2;
	s6 =	simm.s32 $0x108;
	_ =	swait.ge @!p0 [sflag:s8], $0x0  }
0x24: {  	s3 =	sadd.s32 $0x88, s3;
	s6 =	simm.s32 @!p1 $0x1082;
	[sflag:s4] =	ssyncset.s32 $0xFFFFF086  }
0x25: {  	[simem:s6], [sflag:s4] =	dma.local [hbm:s3], $0xF7A  }
0x26: {  	[smem:$0x3F9E] =	sst s1;
	(tag) =	ssettag s2;
	_ =	strace s9  }
0x27: {  	s1 =	sld [smem:$0x3FAE]  }
0x28: {  	s2 =	sld [smem:$0x3FAF]  }
0x29: {  	s4 =	sld [smem:$0x3FB1]  }
0x2a: {  	p0 =	seq.s32 s5, $0x0;
	s5 =	sld [smem:$0x3FB2]  }
0x2b: {  	s6 =	sld [smem:$0x3FB3]  }
0x2c: {  	s7 =	sld [smem:$0x3FB4]  }
0x2d: {  	s3 =	simm.s32 $0x108;
	s8 =	sld [smem:$0x3FB5]  }
0x2e: {  	s3 =	simm.s32 @!p0 $0x1082;
	s9 =	sld [smem:$0x3FB6]  }
0x2f: {  	lr =	sadd.s32 s0, s3;
	s0 =	sld [smem:$0x3FAD]  }
0x30: {  	s3 =	sld [smem:$0x3FB0]  }
0x31: {  	[smem:$0x3FB9] =	sst s10  }
0x32: {  	s10 =	sld [smem:$0x3FB7];
	_ =	sdelay $0x3  }
0x33: {  	p0 =	seq.s32 s10, $0x1;
	s10 =	sld [smem:$0x3FB9];
	_ =	sdelay $0x3  }
0x34: {  	[smem:$0x3FB9] =	sst s10  }
0x35: {  	s10 =	sld [smem:$0x3FB8];
	_ =	sdelay $0x3  }
0x36: {  	p1 =	seq.s32 s10, $0x1;
	s10 =	sld [smem:$0x3FB9];
	_ =	sdelay $0x3  }
0x37: {  	[smem:$0x3FB9] =	sst s10  }
0x38: {  	s10 =	sld [smem:$0x3FBA]  }
0x39: {  	_ = 	snop;
	(pc) =	sbr.ind lr, $3  }
0x3a: {  	_ = 	snop  }
0x3b: {  	_ = 	snop  }
0x3c: {  	p2 =	seq.s32 s10, $0x1;
	s10 =	sld [smem:$0x3FB9]  }
0x3d: {  	_ =	shalt  }
0x3e: {  	_ =	shalt  }
0x3f: {  	_ =	shalt  }
0x40: {  	_ =	shalt  }
0x41: {  	_ =	shalt  }
0x42: {  	_ =	shalt  }
0x43: {  	_ =	shalt  }
0x44: {  	_ =	shalt  }
0x45: {  	_ =	shalt  }
0x46: {  	_ =	shalt  }
0x47: {  	_ =	shalt  }
0x48: {  	_ =	shalt  }
0x49: {  	_ =	shalt  }
0x4a: {  	_ =	shalt  }
0x4b: {  	_ =	shalt  }
0x4c: {  	_ =	shalt  }
0x4d: {  	_ =	shalt  }
0x4e: {  	_ =	shalt  }
0x4f: {  	_ =	shalt  }
0x50: {  	_ =	shalt  }
0x51: {  	_ =	shalt  }
0x52: {  	_ =	shalt  }
0x53: {  	_ =	shalt  }
0x54: {  	_ =	shalt  }
0x55: {  	_ =	shalt  }
0x56: {  	_ =	shalt  }
0x57: {  	_ =	shalt  }
0x58: {  	_ =	shalt  }
0x59: {  	_ =	shalt  }
0x5a: {  	_ =	shalt  }
0x5b: {  	_ =	shalt  }
0x5c: {  	_ =	shalt  }
0x5d: {  	_ =	shalt  }
0x5e: {  	_ =	shalt  }
0x5f: {  	_ =	shalt  }
0x60: {  	_ =	shalt  }
0x61: {  	_ =	shalt  }
0x62: {  	_ =	shalt  }
0x63: {  	_ =	shalt  }
0x64: {  	_ =	shalt  }
0x65: {  	_ =	shalt  }
0x66: {  	_ =	shalt  }
0x67: {  	_ =	shalt  }
0x68: {  	_ =	shalt  }
0x69: {  	_ =	shalt  }
0x6a: {  	_ =	shalt  }
0x6b: {  	_ =	shalt  }
0x6c: {  	_ =	shalt  }
0x6d: {  	_ =	shalt  }
0x6e: {  	_ =	shalt  }
0x6f: {  	_ =	shalt  }
0x70: {  	_ =	shalt  }
0x71: {  	_ =	shalt  }
0x72: {  	_ =	shalt  }
0x73: {  	_ =	shalt  }
0x74: {  	_ =	shalt  }
0x75: {  	_ =	shalt  }
0x76: {  	_ =	shalt  }
0x77: {  	_ =	shalt  }
0x78: {  	_ =	shalt  }
0x79: {  	_ =	shalt  }
0x7a: {  	_ =	shalt  }
0x7b: {  	_ =	shalt  }
0x7c: {  	_ =	shalt  }
0x7d: {  	_ =	shalt  }
0x7e: {  	_ =	shalt  }
0x7f: {  	_ =	shalt  }
0x80: {  	_ =	shalt  }
0x81: {  	_ =	shalt  }
0x82: {  	_ =	shalt  }
0x83: {  	_ =	shalt  }
0x84: {  	_ =	shalt  }
0x85: {  	_ =	shalt  }
0x86: {  	_ =	shalt  }
0x87: {  	_ =	shalt  }
.Lfunc_end0:
.L_simem_size_0:
called_computation_lowered:
.L_overlay_start_0:
0x88: {  	s2 =	sld [smem:$0x3FD9]  }
0x89: {  	s3 =	sld [smem:$0x3FFE];
	_ =	sdelay $0x1  }
0x8a: {  	s1 =	srdreg.scid  }
0x8b: {  	s0 =	sand.u32 $0x1, s1  }
0x8c: {  	s17 =	sshll.u32 s0, $0xA;
	s2 =	sadd.s32 s3, s2  }
0x8d: {  	s2 =	sadd.s32 s2, s17  }
0x8e: {  	[smem:$0x3FC5] =	sst s2  }
0x8f: {  	_ = 	snop  }
0x90: {  	s2 =	sld [smem:$0x3FC8]  }
0x91: {  	s18 =	sld [smem:$0x3FC7];
	(tm) =	ssettm $0x1  }
0x92: {  	s4 =	sld [smem:$0x3FFB];
	_ =	sdelay $0x3  }
0x93: {  	_ =	strace s4  }
0x94: {  	s4 =	sld [smem:$0x3FFC];
	_ =	sdelay $0x3  }
0x95: {  	_ =	strace s4  }
0x96: {  	s4 =	sld [smem:$0x3FFD];
	_ =	sdelay $0x3  }
0x97: {  	_ =	strace s4  }
0x98: {  	_ =	strace $0x8FFFFFFF  }
0x99: {  	s19 =	sld [smem:$0x3FDB];
	_ =	sdelay $0x1  }
0x9a: {  	s5 =	simm.s32 $_scs_section_size  }
0x9b: {  	s6 =	simm.s32 $_size__tile_overlayer_lowered;
	s7 =	simm.s32 $_tile_overlayer_lowered  }
0x9c: {  	s22 =	simm.s32 $0x1BFF;
	s21 =	sshll.u32 s7, $0x1;
	s4 =	sadd.s32 s5, s19  }
0x9d: {  	s8 =	simm.s32 $0x0;
	s20 =	sshll.u32 s6, $0x1;
	s6 =	sadd.s32 s21, s4  }
0x9e: {  	[timem:s8], [sflag:s22] =	dma.local [hbm:s6], s20  }
0x9f: {  	_ =	swait.ge [sflag:s22], s20  }
0xa0: {  	s5 =	ssub.s32 $0x0, s20;
	[sflag:s22] =	ssyncset.done $0x0  }
0xa1: {  	[sflag:s22] =	ssyncadd.s32 s5;
	_ =	sdelay $0x1  }
0xa2: {  	s23 =	simm.s32 $0x1B8B  }
0xa3: {  	_ =	swait.ge [sflag:s23], $0x1  }
0xa4: {  	[sflag:s23] =	ssyncset.done $0x0  }
0xa5: {  	s25 =	simm.s32 $0x1B8E;
	s24 =	sld [smem:$0x3FFE];
	[sflag:s23] =	ssyncadd.s32 $0xFFFFFFFF  }
0xa6: {  	s26 =	simm.s32 $execute0_lowered;
	[smem:$0x3FD2] =	sst s25  }
0xa7: {  	s6 =	sshll.u32 s26, $0x1;
	_ =	strace $0x80000046;
	[dreg:$0x1] =	wrdreg $0xFFFFFFFF  }
0xa8: {  	s28 =	simm.s32 $_size_execute0_lowered;
	s4 =	sadd.s32 s4, s6;
	[dreg:$0x0] =	wrdreg $0x0  }
0xa9: {  	s6 =	sshll.u32 s28, $0x1;
	[dreg:$0x2] =	wrdreg s4  }
0xaa: {  	[dreg:$0x3] =	wrdreg s6  }
0xab: {  	[dreg:$0x4] =	wrdreg $0xC0  }
0xac: {  	_ =	task [dreg:s8], $0x5FFFF  }
0xad: {  	[dreg:$0x1] =	wrdreg $0xFFFFFFFF  }
0xae: {  	[dreg:$0x0] =	wrdreg $0x60  }
0xaf: {  	[dreg:$0x2] =	wrdreg s24  }
0xb0: {  	[dreg:$0x3] =	wrdreg s2  }
0xb1: {  	[dreg:$0x4] =	wrdreg s18  }
0xb2: {  	[dreg:$0x5] =	wrdreg $0x9  }
0xb3: {  	_ =	task.clear_ibuf [dreg:s8], $0x6FFFF;
	_ =	strace $0x90000046  }
0xb4: {  	s29 =	simm.s32 $0x9;
	_ =	strace $0x80000048  }
0xb5: {  	_ =	swait.ge [sflag:s29], $0x1  }
0xb6: {  	[sflag:s29] =	ssyncadd.s32 $0xFFFFFFFF  }
0xb7: {  	_ =	strace $0x90000048  }
0xb8: {  	_ =	sfence  }
0xb9: {  	s30 =	sld [smem:$0x0];
	_ =	sdelay $0x2  }
0xba: {  	s31 =	sshll.u32 s1, $0xD;
	s1 =	sshrl.u32 s1, $0x2  }
0xbb: {  	s3 =	sand.u32 $0x4000, s31;
	s1 =	sadd.s32 s1, s30  }
0xbc: {  	s0 =	sor.u32 s3, s0;
	s1 =	sshll.u32 s1, $0x11  }
0xbd: {  	s0 =	sor.u32 s1, s0  }
0xbe: {  	s0 =	sadd.s32 $0x8F2B, s0  }
0xbf: {  	[sflag:s0] =	ssyncadd.remote.s32 $0x1  }
0xc0: {  	_ =	sfence.sel $0xFFFF  }
0xc1: {  	[dreg:$0x0] =	wrdreg $0xFFFFFFFF;
	(pc) =	sbr.abs _section_cstart, $3  }
0xc2: {  	[dreg:$0x1] =	wrdreg $0xFFFFFFFF  }
0xc3: {  	_ =	task.clear_ibuf [dreg:s8], $0x2FFFF;
	_ =	strace $0x9FFFFFFF  }
0xc4: {  	(tm) =	ssettm $0x7FFFFFFF  }
0xc5: {  	_ =	shalt  }
tec
execute0_lowered:
.L_overlay_start_1:
0x0: {  	(tag) =	ssettag $0x1  }
0x1: {  	s0 =	srdreg.scid;
	s1 =	rddreg [dreg:$0x0]  }
0x2: {  	s3 =	stileid.u32;
	s9 =	rddreg [dreg:$0x1]  }
0x3: {  	s10 =	rddreg [dreg:$0x2];
	s5 =	simm.s32 $0x0;
	s31 =	simm.s32 $0x80  }
0x4: {  	s11 =	simm.s32 $0x2;
	[smem:$0x7FF] =	sst s5;
	s15 =	sadd.s32 $0xFA, s9  }
0x5: {  	s16 =	sadd.s32 $0xFA, s10;
	_ =	strace $0x80000047;
	[dreg:$0x5] =	wrdreg s15  }
0x6: {  	s12 =	simm.s32 $0xED80;
	s17 =	sadd.s32 $0x1F4, s9;
	[dreg:$0x6] =	wrdreg s16  }
0x7: {  	s0 =	sand.u32 $0x1, s0;
	s18 =	sadd.s32 $0x1F4, s10;
	[dreg:$0x7] =	wrdreg s17  }
0x8: {  	s3 =	sshll.u32 s3, $0x5;
	s19 =	sadd.s32 $0x2EE, s9;
	[dreg:$0x8] =	wrdreg s18  }
0x9: {  	s6 =	sadd.s32 $0x400, s1;
	s20 =	sadd.s32 $0x2EE, s10;
	[dreg:$0x9] =	wrdreg s19  }
0xa: {  	s7 =	sadd.s32 $0x274400, s1;
	s21 =	sadd.s32 $0x3E8, s9;
	[dreg:$0xa] =	wrdreg s20  }
0xb: {  	s22 =	sadd.s32 $0x3E8, s10;
	s23 =	sadd.s32 $0x4E2, s9;
	[dreg:$0xb] =	wrdreg s21  }
0xc: {  	s24 =	sadd.s32 $0x4E2, s10;
	s25 =	sadd.s32 $0x5DC, s9;
	[dreg:$0xc] =	wrdreg s22  }
0xd: {  	s26 =	sadd.s32 $0x5DC, s10;
	s28 =	sadd.s32 $0x8CA, s9;
	[dreg:$0xd] =	wrdreg s23  }
0xe: {  	s29 =	sadd.s32 $0x8CA, s10;
	s1 =	simm.s32 $0x400;
	[dreg:$0xe] =	wrdreg s24  }
0xf: {  	s2 =	sshll.u32 s0, $0x9;
	s0 =	ssub.s32 $0x2, s0;
	[dreg:$0xf] =	wrdreg s25  }
0x10: {  	[dreg:$0x10] =	wrdreg s26;
	s22 =	sadd.s32 $0x6D6, s9;
	s4 =	sor.u32 s3, s2  }
0x11: {  	s23 =	sadd.s32 $0x6D6, s10;
	s24 =	sadd.s32 $0x7D0, s9;
	s2 =	sshrl.u32 s4, $0x3  }
0x12: {  	s26 =	sadd.s32 $0x7D0, s10;
	s9 =	simm.s32 $0x1;
	s2 =	smul.u32 $0x4E80, s2  }
.Ltmp0:
0x13: {  	s10 =	simm.s32 $0xD800;
	s13 =	sshrl.u32 s0, $0x1;
	(pc) =	sbr.rel .LBB2_1-.Ltmp0, $4  }
0x14: {  	s15 =	simm.s32 $0x0;
	s3 =	simm.s32 $0x5;
	s0 =	ssub.s32 s0, s13  }
0x15: {  	s30 =	sor.u32 $0x1F, s4;
	s13 =	simm.s32 $0x3;
	s8 =	sadd.s32 s6, s2  }
0x16: {  	s25 =	smax.u32 s0, $0x1;
	s0 =	simm.s32 $0x3B00;
	s14 =	sadd.s32 $0x10, s8  }
0x17: {  	v0 =	vimm.s32 $0xFFFFFFFF;
	v1 =	vlaneseq.u32;
	v2 =	vimm.f32 $0.0e+00;
	s2 =	simm.s32 $0x8980;
	[dreg:$0x4] =	wrdreg s14;
	s14 =	simm.s32 $0x4  }
.LBB2_36:
0x18: {  	s15 =	sadd.s32 $0x1, s15  }
0x19: {  	_ =	swait.ge [sflag:s13], $0x1580;
	p0 =	sne.s32 s15, s25  }
.Ltmp1:
0x1a: {  	[sflag:s13] =	ssyncset.done $0x0;
	(pc) =	sbr.rel @!p0 .LBB2_37-.Ltmp1, $4  }
0x1b: {  	[sflag:s13] =	ssyncadd.s32 $0xFFFFEA80  }
0x1c: {  	_ =	swait.ge [sflag:s14], $0x1580  }
0x1d: {  	[sflag:s14] =	ssyncset.done $0x0  }
0x1e: {  	[sflag:s14] =	ssyncadd.s32 $0xFFFFEA80  }
.LBB2_1:
0x1f: {  	[tilespmem:s0], [sflag:$0x1] =	stream.strided.gather [hbm4b:s8+s31], $0x4E80, s1, s31, $0x38;
	[tilespmem:$0x10300] =	vst v63  }
0x20: {  	s16 =	rddreg [dreg:$0x4]  }
0x21: {  	[tilespmem:s2], [sflag:$0x2] =	stream.strided.gather [hbm4b:s16+s31], $0x4E80, s1, s31, $0x38;
	[tilespmem:$0x10300] =	vst v63  }
0x22: {  	s17 =	simm.s32 $0x0;
	s16 =	simm.s32 $0x40  }
.LBB2_2:
0x23: {  	p0 =	sne.s32 s16, $0x55C0;
	[tilespmem:s17+$0x0] =	vst v0;
	s17 =	smov.u32 s16;
	s16 =	sadd.s32 $0x40, s16  }
.Ltmp2:
0x24: {  	(pc) =	sbr.rel @p0 .LBB2_2-.Ltmp2, $2  }
0x25: {  	_ =	sdelay $0x2  }
0x26: {  	s17 =	sshra.s32 s17, $0x2  }
0x27: {  	[tilespmem:s17+$0x0] =	vst v0;
	s21 =	simm.s32 $0x0;
	s18 =	simm.s32 $0x2B00;
	s16 =	rddreg [dreg:$0x1]  }
0x28: {  	[tilespmem:s18], [sflag:$0x5] =	stream.linear.gather [hbm4b:s16+s21], $0x7D0, $0x38;
	[tilespmem:$0x10300] =	vst v63  }
0x29: {  	_ =	swait.ge [sflag:s3], $0x7D0  }
0x2a: {  	[sflag:s3] =	ssyncset.done $0x0  }
0x2b: {  	[sflag:s3] =	ssyncadd.s32 $0xFFFFF830  }
0x2c: {  	s16 =	simm.s32 $0x3300;
	s19 =	rddreg [dreg:$0x2]  }
0x2d: {  	[tilespmem:s16], [sflag:$0x5] =	stream.linear.gather [hbm4b:s19+s21], $0x7D0, $0x38;
	[tilespmem:$0x10300] =	vst v63  }
0x2e: {  	_ =	swait.ge [sflag:s3], $0x7D0  }
0x2f: {  	[sflag:s3] =	ssyncset.done $0x0  }
0x30: {  	[sflag:s3] =	ssyncadd.s32 $0xFFFFF830  }
0x31: {  	v3 =	vld [tilespmem:s18+$0x0];
	_ =	sdelay $0x1  }
0x32: {  	v4 =	vld [tilespmem:s16+$0x0];
	_ =	sdelay $0x2  }
0x33: {  	v3 =	vmul.u32 $0x43, v3;
	_ =	sdelay $0x1  }
0x34: {  	v3 =	vadd.s32 v4, v3;
	_ =	sdelay $0x3  }
0x35: {  	v4 =	vor.u32 s21, v1  }
0x36: {  	s18 =	simm.s32 $0x2B10;
	[tilespmem:v3+s5+$0x0] =	vst.idx.msk $0xffff, v4  }
0x37: {  	s17 =	simm.s32 $0x10;
	s19 =	simm.s32 $0x20;
	v3 =	vld [tilespmem:s18+$0x0]  }
.LBB2_4:
0x38: {  	p0 =	sne.s32 s19, $0x7C0;
	s16 =	sadd.s32 $0x10, s16  }
0x39: {  	v4 =	vld [tilespmem:s16+$0x0];
	_ =	sdelay $0x2  }
0x3a: {  	v3 =	vmul.u32 $0x43, v3;
	_ =	sdelay $0x1  }
0x3b: {  	v3 =	vadd.s32 v4, v3;
	_ =	sdelay $0x1  }
.Ltmp3:
0x3c: {  	(pc) =	sbr.rel @p0 .LBB2_4-.Ltmp3, $4  }
0x3d: {  	_ = 	snop  }
0x3e: {  	v4 =	vor.u32 s17, v1;
	s17 =	smov.u32 s19  }
0x3f: {  	s18 =	sadd.s32 $0x10, s18;
	[tilespmem:v3+s5+$0x0] =	vst.idx.msk $0xffff, v4  }
0x40: {  	s19 =	sadd.s32 $0x10, s19;
	v3 =	vld [tilespmem:s18+$0x0]  }
0x41: {  	s16 =	sadd.s32 $0x10, s16  }
0x42: {  	v4 =	vld [tilespmem:s16+$0x0];
	_ =	sdelay $0x2  }
0x43: {  	v3 =	vmul.u32 $0x43, v3;
	_ =	sdelay $0x1  }
0x44: {  	v3 =	vadd.s32 v4, v3;
	_ =	sdelay $0x3  }
0x45: {  	v4 =	vor.u32 s17, v1  }
0x46: {  	s19 =	simm.s32 $0x2B00;
	s20 =	rddreg [dreg:$0x5];
	[tilespmem:v3+s5+$0x0] =	vst.idx.msk $0xffff, v4  }
0x47: {  	[tilespmem:s19], [sflag:$0x5] =	stream.linear.gather [hbm4b:s20+s5], $0x7D0, $0x38;
	[tilespmem:$0x10300] =	vst v63  }
0x48: {  	_ =	swait.ge [sflag:s3], $0x7D0  }
0x49: {  	[sflag:s3] =	ssyncset.done $0x0  }
0x4a: {  	s16 =	simm.s32 $0x3300;
	s18 =	rddreg [dreg:$0x6];
	[sflag:s3] =	ssyncadd.s32 $0xFFFFF830  }
0x4b: {  	[tilespmem:s16], [sflag:$0x5] =	stream.linear.gather [hbm4b:s18+s5], $0x7D0, $0x38;
	[tilespmem:$0x10300] =	vst v63  }
0x4c: {  	_ =	swait.ge [sflag:s3], $0x7D0  }
0x4d: {  	[sflag:s3] =	ssyncset.done $0x0  }
0x4e: {  	[sflag:s3] =	ssyncadd.s32 $0xFFFFF830  }
0x4f: {  	v3 =	vld [tilespmem:s19+$0x0];
	_ =	sdelay $0x1  }
0x50: {  	v4 =	vld [tilespmem:s16+$0x0];
	_ =	sdelay $0x2  }
0x51: {  	v3 =	vmul.u32 $0x43, v3;
	_ =	sdelay $0x1  }
0x52: {  	v3 =	vadd.s32 v4, v3;
	_ =	sdelay $0x2  }
0x53: {  	s21 =	simm.s32 $0x7D0  }
0x54: {  	v4 =	vor.u32 s21, v1  }
0x55: {  	s18 =	simm.s32 $0x2B10;
	[tilespmem:v3+s5+$0x0] =	vst.idx.msk $0xffff, v4  }
0x56: {  	s17 =	simm.s32 $0x7E0;
	s19 =	simm.s32 $0x7F0;
	v3 =	vld [tilespmem:s18+$0x0]  }
.LBB2_6:
0x57: {  	p0 =	sne.s32 s19, $0xF90;
	s16 =	sadd.s32 $0x10, s16  }
0x58: {  	v4 =	vld [tilespmem:s16+$0x0];
	_ =	sdelay $0x2  }
0x59: {  	v3 =	vmul.u32 $0x43, v3;
	_ =	sdelay $0x1  }
0x5a: {  	v3 =	vadd.s32 v4, v3;
	_ =	sdelay $0x1  }
.Ltmp4:
0x5b: {  	(pc) =	sbr.rel @p0 .LBB2_6-.Ltmp4, $4  }
0x5c: {  	_ = 	snop  }
0x5d: {  	v4 =	vor.u32 s17, v1;
	s17 =	smov.u32 s19  }
0x5e: {  	s18 =	sadd.s32 $0x10, s18;
	[tilespmem:v3+s5+$0x0] =	vst.idx.msk $0xffff, v4  }
0x5f: {  	s19 =	sadd.s32 $0x10, s19;
	v3 =	vld [tilespmem:s18+$0x0]  }
0x60: {  	s16 =	sadd.s32 $0x10, s16  }
0x61: {  	v4 =	vld [tilespmem:s16+$0x0];
	_ =	sdelay $0x2  }
0x62: {  	v3 =	vmul.u32 $0x43, v3;
	_ =	sdelay $0x1  }
0x63: {  	v3 =	vadd.s32 v4, v3;
	_ =	sdelay $0x3  }
0x64: {  	v4 =	vor.u32 s17, v1  }
0x65: {  	s19 =	simm.s32 $0x2B00;
	s20 =	rddreg [dreg:$0x7];
	[tilespmem:v3+s5+$0x0] =	vst.idx.msk $0xffff, v4  }
0x66: {  	[tilespmem:s19], [sflag:$0x5] =	stream.linear.gather [hbm4b:s20+s5], $0x7D0, $0x38;
	[tilespmem:$0x10300] =	vst v63  }
0x67: {  	_ =	swait.ge [sflag:s3], $0x7D0  }
0x68: {  	[sflag:s3] =	ssyncset.done $0x0  }
0x69: {  	s16 =	simm.s32 $0x3300;
	s18 =	rddreg [dreg:$0x8];
	[sflag:s3] =	ssyncadd.s32 $0xFFFFF830  }
0x6a: {  	[tilespmem:s16], [sflag:$0x5] =	stream.linear.gather [hbm4b:s18+s5], $0x7D0, $0x38;
	[tilespmem:$0x10300] =	vst v63  }
0x6b: {  	_ =	swait.ge [sflag:s3], $0x7D0  }
0x6c: {  	[sflag:s3] =	ssyncset.done $0x0  }
0x6d: {  	[sflag:s3] =	ssyncadd.s32 $0xFFFFF830  }
0x6e: {  	v3 =	vld [tilespmem:s19+$0x0];
	_ =	sdelay $0x1  }
0x6f: {  	v4 =	vld [tilespmem:s16+$0x0];
	_ =	sdelay $0x2  }
0x70: {  	v3 =	vmul.u32 $0x43, v3;
	_ =	sdelay $0x1  }
0x71: {  	v3 =	vadd.s32 v4, v3;
	_ =	sdelay $0x2  }
0x72: {  	s21 =	simm.s32 $0xFA0  }
0x73: {  	v4 =	vor.u32 s21, v1  }
0x74: {  	s18 =	simm.s32 $0x2B10;
	[tilespmem:v3+s5+$0x0] =	vst.idx.msk $0xffff, v4  }
0x75: {  	s17 =	simm.s32 $0xFB0;
	s19 =	simm.s32 $0xFC0;
	v3 =	vld [tilespmem:s18+$0x0]  }
.LBB2_8:
0x76: {  	p0 =	sne.s32 s19, $0x1760;
	s16 =	sadd.s32 $0x10, s16  }
0x77: {  	v4 =	vld [tilespmem:s16+$0x0];
	_ =	sdelay $0x2  }
0x78: {  	v3 =	vmul.u32 $0x43, v3;
	_ =	sdelay $0x1  }
0x79: {  	v3 =	vadd.s32 v4, v3;
	_ =	sdelay $0x1  }
.Ltmp5:
0x7a: {  	(pc) =	sbr.rel @p0 .LBB2_8-.Ltmp5, $4  }
0x7b: {  	_ = 	snop  }
0x7c: {  	v4 =	vor.u32 s17, v1;
	s17 =	smov.u32 s19  }
0x7d: {  	s18 =	sadd.s32 $0x10, s18;
	[tilespmem:v3+s5+$0x0] =	vst.idx.msk $0xffff, v4  }
0x7e: {  	s19 =	sadd.s32 $0x10, s19;
	v3 =	vld [tilespmem:s18+$0x0]  }
0x7f: {  	s16 =	sadd.s32 $0x10, s16  }
0x80: {  	v4 =	vld [tilespmem:s16+$0x0];
	_ =	sdelay $0x2  }
0x81: {  	v3 =	vmul.u32 $0x43, v3;
	_ =	sdelay $0x1  }
0x82: {  	v3 =	vadd.s32 v4, v3;
	_ =	sdelay $0x3  }
0x83: {  	v4 =	vor.u32 s17, v1  }
0x84: {  	s19 =	simm.s32 $0x2B00;
	s20 =	rddreg [dreg:$0x9];
	[tilespmem:v3+s5+$0x0] =	vst.idx.msk $0xffff, v4  }
0x85: {  	[tilespmem:s19], [sflag:$0x5] =	stream.linear.gather [hbm4b:s20+s5], $0x7D0, $0x38;
	[tilespmem:$0x10300] =	vst v63  }
0x86: {  	_ =	swait.ge [sflag:s3], $0x7D0  }
0x87: {  	[sflag:s3] =	ssyncset.done $0x0  }
0x88: {  	s16 =	simm.s32 $0x3300;
	s18 =	rddreg [dreg:$0xa];
	[sflag:s3] =	ssyncadd.s32 $0xFFFFF830  }
0x89: {  	[tilespmem:s16], [sflag:$0x5] =	stream.linear.gather [hbm4b:s18+s5], $0x7D0, $0x38;
	[tilespmem:$0x10300] =	vst v63  }
0x8a: {  	_ =	swait.ge [sflag:s3], $0x7D0  }
0x8b: {  	[sflag:s3] =	ssyncset.done $0x0  }
0x8c: {  	[sflag:s3] =	ssyncadd.s32 $0xFFFFF830  }
0x8d: {  	v3 =	vld [tilespmem:s19+$0x0];
	_ =	sdelay $0x1  }
0x8e: {  	v4 =	vld [tilespmem:s16+$0x0];
	_ =	sdelay $0x2  }
0x8f: {  	v3 =	vmul.u32 $0x43, v3;
	_ =	sdelay $0x1  }
0x90: {  	v3 =	vadd.s32 v4, v3;
	_ =	sdelay $0x2  }
0x91: {  	s21 =	simm.s32 $0x1770  }
0x92: {  	v4 =	vor.u32 s21, v1  }
0x93: {  	s18 =	simm.s32 $0x2B10;
	[tilespmem:v3+s5+$0x0] =	vst.idx.msk $0xffff, v4  }
0x94: {  	s17 =	simm.s32 $0x1780;
	s19 =	simm.s32 $0x1790;
	v3 =	vld [tilespmem:s18+$0x0]  }
.LBB2_10:
0x95: {  	p0 =	sne.s32 s19, $0x1F30;
	s16 =	sadd.s32 $0x10, s16  }
0x96: {  	v4 =	vld [tilespmem:s16+$0x0];
	_ =	sdelay $0x2  }
0x97: {  	v3 =	vmul.u32 $0x43, v3;
	_ =	sdelay $0x1  }
0x98: {  	v3 =	vadd.s32 v4, v3;
	_ =	sdelay $0x1  }
.Ltmp6:
0x99: {  	(pc) =	sbr.rel @p0 .LBB2_10-.Ltmp6, $4  }
0x9a: {  	_ = 	snop  }
0x9b: {  	v4 =	vor.u32 s17, v1;
	s17 =	smov.u32 s19  }
0x9c: {  	s18 =	sadd.s32 $0x10, s18;
	[tilespmem:v3+s5+$0x0] =	vst.idx.msk $0xffff, v4  }
0x9d: {  	s19 =	sadd.s32 $0x10, s19;
	v3 =	vld [tilespmem:s18+$0x0]  }
0x9e: {  	s16 =	sadd.s32 $0x10, s16  }
0x9f: {  	v4 =	vld [tilespmem:s16+$0x0];
	_ =	sdelay $0x2  }
0xa0: {  	v3 =	vmul.u32 $0x43, v3;
	_ =	sdelay $0x1  }
0xa1: {  	v3 =	vadd.s32 v4, v3;
	_ =	sdelay $0x3  }
0xa2: {  	v4 =	vor.u32 s17, v1  }
0xa3: {  	s19 =	simm.s32 $0x2B00;
	s20 =	rddreg [dreg:$0xb];
	[tilespmem:v3+s5+$0x0] =	vst.idx.msk $0xffff, v4  }
0xa4: {  	[tilespmem:s19], [sflag:$0x5] =	stream.linear.gather [hbm4b:s20+s5], $0x7D0, $0x38;
	[tilespmem:$0x10300] =	vst v63  }
0xa5: {  	_ =	swait.ge [sflag:s3], $0x7D0  }
0xa6: {  	[sflag:s3] =	ssyncset.done $0x0  }
0xa7: {  	s16 =	simm.s32 $0x3300;
	s18 =	rddreg [dreg:$0xc];
	[sflag:s3] =	ssyncadd.s32 $0xFFFFF830  }
0xa8: {  	[tilespmem:s16], [sflag:$0x5] =	stream.linear.gather [hbm4b:s18+s5], $0x7D0, $0x38;
	[tilespmem:$0x10300] =	vst v63  }
0xa9: {  	_ =	swait.ge [sflag:s3], $0x7D0  }
0xaa: {  	[sflag:s3] =	ssyncset.done $0x0  }
0xab: {  	[sflag:s3] =	ssyncadd.s32 $0xFFFFF830  }
0xac: {  	v3 =	vld [tilespmem:s19+$0x0];
	_ =	sdelay $0x1  }
0xad: {  	v4 =	vld [tilespmem:s16+$0x0];
	_ =	sdelay $0x2  }
0xae: {  	v3 =	vmul.u32 $0x43, v3;
	_ =	sdelay $0x1  }
0xaf: {  	v3 =	vadd.s32 v4, v3;
	_ =	sdelay $0x2  }
0xb0: {  	s21 =	simm.s32 $0x1F40  }
0xb1: {  	v4 =	vor.u32 s21, v1  }
0xb2: {  	s18 =	simm.s32 $0x2B10;
	[tilespmem:v3+s5+$0x0] =	vst.idx.msk $0xffff, v4  }
0xb3: {  	s17 =	simm.s32 $0x1F50;
	s19 =	simm.s32 $0x1F60;
	v3 =	vld [tilespmem:s18+$0x0]  }
.LBB2_12:
0xb4: {  	p0 =	sne.s32 s19, $0x2700;
	s16 =	sadd.s32 $0x10, s16  }
0xb5: {  	v4 =	vld [tilespmem:s16+$0x0];
	_ =	sdelay $0x2  }
0xb6: {  	v3 =	vmul.u32 $0x43, v3;
	_ =	sdelay $0x1  }
0xb7: {  	v3 =	vadd.s32 v4, v3;
	_ =	sdelay $0x1  }
.Ltmp7:
0xb8: {  	(pc) =	sbr.rel @p0 .LBB2_12-.Ltmp7, $4  }
0xb9: {  	_ = 	snop  }
0xba: {  	v4 =	vor.u32 s17, v1;
	s17 =	smov.u32 s19  }
0xbb: {  	s18 =	sadd.s32 $0x10, s18;
	[tilespmem:v3+s5+$0x0] =	vst.idx.msk $0xffff, v4  }
0xbc: {  	s19 =	sadd.s32 $0x10, s19;
	v3 =	vld [tilespmem:s18+$0x0]  }
0xbd: {  	s16 =	sadd.s32 $0x10, s16  }
0xbe: {  	v4 =	vld [tilespmem:s16+$0x0];
	_ =	sdelay $0x2  }
0xbf: {  	v3 =	vmul.u32 $0x43, v3;
	_ =	sdelay $0x1  }
0xc0: {  	v3 =	vadd.s32 v4, v3;
	_ =	sdelay $0x3  }
0xc1: {  	v4 =	vor.u32 s17, v1  }
0xc2: {  	s19 =	simm.s32 $0x2B00;
	s20 =	rddreg [dreg:$0xd];
	[tilespmem:v3+s5+$0x0] =	vst.idx.msk $0xffff, v4  }
0xc3: {  	[tilespmem:s19], [sflag:$0x5] =	stream.linear.gather [hbm4b:s20+s5], $0x7D0, $0x38;
	[tilespmem:$0x10300] =	vst v63  }
0xc4: {  	_ =	swait.ge [sflag:s3], $0x7D0  }
0xc5: {  	[sflag:s3] =	ssyncset.done $0x0  }
0xc6: {  	s16 =	simm.s32 $0x3300;
	s18 =	rddreg [dreg:$0xe];
	[sflag:s3] =	ssyncadd.s32 $0xFFFFF830  }
0xc7: {  	[tilespmem:s16], [sflag:$0x5] =	stream.linear.gather [hbm4b:s18+s5], $0x7D0, $0x38;
	[tilespmem:$0x10300] =	vst v63  }
0xc8: {  	_ =	swait.ge [sflag:s3], $0x7D0  }
0xc9: {  	[sflag:s3] =	ssyncset.done $0x0  }
0xca: {  	[sflag:s3] =	ssyncadd.s32 $0xFFFFF830  }
0xcb: {  	v3 =	vld [tilespmem:s19+$0x0];
	_ =	sdelay $0x1  }
0xcc: {  	v4 =	vld [tilespmem:s16+$0x0];
	_ =	sdelay $0x2  }
0xcd: {  	v3 =	vmul.u32 $0x43, v3;
	_ =	sdelay $0x1  }
0xce: {  	v3 =	vadd.s32 v4, v3;
	_ =	sdelay $0x2  }
0xcf: {  	s21 =	simm.s32 $0x2710  }
0xd0: {  	v4 =	vor.u32 s21, v1  }
0xd1: {  	s18 =	simm.s32 $0x2B10;
	[tilespmem:v3+s5+$0x0] =	vst.idx.msk $0xffff, v4  }
0xd2: {  	s17 =	simm.s32 $0x2720;
	s19 =	simm.s32 $0x2730;
	v3 =	vld [tilespmem:s18+$0x0]  }
.LBB2_14:
0xd3: {  	p0 =	sne.s32 s19, $0x2ED0;
	s16 =	sadd.s32 $0x10, s16  }
0xd4: {  	v4 =	vld [tilespmem:s16+$0x0];
	_ =	sdelay $0x2  }
0xd5: {  	v3 =	vmul.u32 $0x43, v3;
	_ =	sdelay $0x1  }
0xd6: {  	v3 =	vadd.s32 v4, v3;
	_ =	sdelay $0x1  }
.Ltmp8:
0xd7: {  	(pc) =	sbr.rel @p0 .LBB2_14-.Ltmp8, $4  }
0xd8: {  	_ = 	snop  }
0xd9: {  	v4 =	vor.u32 s17, v1;
	s17 =	smov.u32 s19  }
0xda: {  	s18 =	sadd.s32 $0x10, s18;
	[tilespmem:v3+s5+$0x0] =	vst.idx.msk $0xffff, v4  }
0xdb: {  	s19 =	sadd.s32 $0x10, s19;
	v3 =	vld [tilespmem:s18+$0x0]  }
0xdc: {  	s16 =	sadd.s32 $0x10, s16  }
0xdd: {  	v4 =	vld [tilespmem:s16+$0x0];
	_ =	sdelay $0x2  }
0xde: {  	v3 =	vmul.u32 $0x43, v3;
	_ =	sdelay $0x1  }
0xdf: {  	v3 =	vadd.s32 v4, v3;
	_ =	sdelay $0x3  }
0xe0: {  	v4 =	vor.u32 s17, v1  }
0xe1: {  	s19 =	simm.s32 $0x2B00;
	s20 =	rddreg [dreg:$0xf];
	[tilespmem:v3+s5+$0x0] =	vst.idx.msk $0xffff, v4  }
0xe2: {  	[tilespmem:s19], [sflag:$0x5] =	stream.linear.gather [hbm4b:s20+s5], $0x7D0, $0x38;
	[tilespmem:$0x10300] =	vst v63  }
0xe3: {  	_ =	swait.ge [sflag:s3], $0x7D0  }
0xe4: {  	[sflag:s3] =	ssyncset.done $0x0  }
0xe5: {  	s16 =	simm.s32 $0x3300;
	s18 =	rddreg [dreg:$0x10];
	[sflag:s3] =	ssyncadd.s32 $0xFFFFF830  }
0xe6: {  	[tilespmem:s16], [sflag:$0x5] =	stream.linear.gather [hbm4b:s18+s5], $0x7D0, $0x38;
	[tilespmem:$0x10300] =	vst v63  }
0xe7: {  	_ =	swait.ge [sflag:s3], $0x7D0  }
0xe8: {  	[sflag:s3] =	ssyncset.done $0x0  }
0xe9: {  	[sflag:s3] =	ssyncadd.s32 $0xFFFFF830  }
0xea: {  	v3 =	vld [tilespmem:s19+$0x0];
	_ =	sdelay $0x1  }
0xeb: {  	v4 =	vld [tilespmem:s16+$0x0];
	_ =	sdelay $0x2  }
0xec: {  	v3 =	vmul.u32 $0x43, v3;
	_ =	sdelay $0x1  }
0xed: {  	v3 =	vadd.s32 v4, v3;
	_ =	sdelay $0x2  }
0xee: {  	s21 =	simm.s32 $0x2EE0  }
0xef: {  	v4 =	vor.u32 s21, v1  }
0xf0: {  	s18 =	simm.s32 $0x2B10;
	[tilespmem:v3+s5+$0x0] =	vst.idx.msk $0xffff, v4  }
0xf1: {  	s17 =	simm.s32 $0x2EF0;
	s19 =	simm.s32 $0x2F00;
	v3 =	vld [tilespmem:s18+$0x0]  }
.LBB2_16:
0xf2: {  	p0 =	sne.s32 s19, $0x36A0;
	s16 =	sadd.s32 $0x10, s16  }
0xf3: {  	v4 =	vld [tilespmem:s16+$0x0];
	_ =	sdelay $0x2  }
0xf4: {  	v3 =	vmul.u32 $0x43, v3;
	_ =	sdelay $0x1  }
0xf5: {  	v3 =	vadd.s32 v4, v3;
	_ =	sdelay $0x1  }
.Ltmp9:
0xf6: {  	(pc) =	sbr.rel @p0 .LBB2_16-.Ltmp9, $4  }
0xf7: {  	_ = 	snop  }
0xf8: {  	v4 =	vor.u32 s17, v1;
	s17 =	smov.u32 s19  }
0xf9: {  	s18 =	sadd.s32 $0x10, s18;
	[tilespmem:v3+s5+$0x0] =	vst.idx.msk $0xffff, v4  }
0xfa: {  	s19 =	sadd.s32 $0x10, s19;
	v3 =	vld [tilespmem:s18+$0x0]  }
0xfb: {  	s16 =	sadd.s32 $0x10, s16  }
0xfc: {  	v4 =	vld [tilespmem:s16+$0x0];
	_ =	sdelay $0x2  }
0xfd: {  	v3 =	vmul.u32 $0x43, v3;
	_ =	sdelay $0x1  }
0xfe: {  	v3 =	vadd.s32 v4, v3;
	_ =	sdelay $0x3  }
0xff: {  	v4 =	vor.u32 s17, v1  }
0x100: {  	s20 =	simm.s32 $0x2B00;
	[tilespmem:v3+s5+$0x0] =	vst.idx.msk $0xffff, v4  }
0x101: {  	[tilespmem:s20], [sflag:$0x5] =	stream.linear.gather [hbm4b:s22+s5], $0x7D0, $0x38;
	[tilespmem:$0x10300] =	vst v63  }
0x102: {  	_ =	swait.ge [sflag:s3], $0x7D0  }
0x103: {  	[sflag:s3] =	ssyncset.done $0x0  }
0x104: {  	s16 =	simm.s32 $0x3300;
	[sflag:s3] =	ssyncadd.s32 $0xFFFFF830  }
0x105: {  	[tilespmem:s16], [sflag:$0x5] =	stream.linear.gather [hbm4b:s23+s5], $0x7D0, $0x38;
	[tilespmem:$0x10300] =	vst v63  }
0x106: {  	_ =	swait.ge [sflag:s3], $0x7D0  }
0x107: {  	[sflag:s3] =	ssyncset.done $0x0  }
0x108: {  	[sflag:s3] =	ssyncadd.s32 $0xFFFFF830  }
0x109: {  	v3 =	vld [tilespmem:s20+$0x0];
	_ =	sdelay $0x1  }
0x10a: {  	v4 =	vld [tilespmem:s16+$0x0];
	_ =	sdelay $0x2  }
0x10b: {  	v3 =	vmul.u32 $0x43, v3;
	_ =	sdelay $0x1  }
0x10c: {  	v3 =	vadd.s32 v4, v3;
	_ =	sdelay $0x2  }
0x10d: {  	s21 =	simm.s32 $0x36B0  }
0x10e: {  	v4 =	vor.u32 s21, v1  }
0x10f: {  	s18 =	simm.s32 $0x2B10;
	[tilespmem:v3+s5+$0x0] =	vst.idx.msk $0xffff, v4  }
0x110: {  	s19 =	simm.s32 $0x36D0;
	s17 =	simm.s32 $0x36C0;
	v3 =	vld [tilespmem:s18+$0x0]  }
.LBB2_18:
0x111: {  	p0 =	sne.s32 s19, $0x3E70;
	s16 =	sadd.s32 $0x10, s16  }
0x112: {  	v4 =	vld [tilespmem:s16+$0x0];
	_ =	sdelay $0x2  }
0x113: {  	v3 =	vmul.u32 $0x43, v3;
	_ =	sdelay $0x1  }
0x114: {  	v3 =	vadd.s32 v4, v3;
	_ =	sdelay $0x1  }
.Ltmp10:
0x115: {  	(pc) =	sbr.rel @p0 .LBB2_18-.Ltmp10, $4  }
0x116: {  	_ = 	snop  }
0x117: {  	v4 =	vor.u32 s17, v1;
	s17 =	smov.u32 s19  }
0x118: {  	s18 =	sadd.s32 $0x10, s18;
	[tilespmem:v3+s5+$0x0] =	vst.idx.msk $0xffff, v4  }
0x119: {  	s19 =	sadd.s32 $0x10, s19;
	v3 =	vld [tilespmem:s18+$0x0]  }
0x11a: {  	s16 =	sadd.s32 $0x10, s16  }
0x11b: {  	v4 =	vld [tilespmem:s16+$0x0];
	_ =	sdelay $0x2  }
0x11c: {  	v3 =	vmul.u32 $0x43, v3;
	_ =	sdelay $0x1  }
0x11d: {  	v3 =	vadd.s32 v4, v3;
	_ =	sdelay $0x3  }
0x11e: {  	v4 =	vor.u32 s17, v1  }
0x11f: {  	s20 =	simm.s32 $0x2B00;
	[tilespmem:v3+s5+$0x0] =	vst.idx.msk $0xffff, v4  }
0x120: {  	[tilespmem:s20], [sflag:$0x5] =	stream.linear.gather [hbm4b:s24+s5], $0x7D0, $0x38;
	[tilespmem:$0x10300] =	vst v63  }
0x121: {  	_ =	swait.ge [sflag:s3], $0x7D0  }
0x122: {  	[sflag:s3] =	ssyncset.done $0x0  }
0x123: {  	s16 =	simm.s32 $0x3300;
	[sflag:s3] =	ssyncadd.s32 $0xFFFFF830  }
0x124: {  	[tilespmem:s16], [sflag:$0x5] =	stream.linear.gather [hbm4b:s26+s5], $0x7D0, $0x38;
	[tilespmem:$0x10300] =	vst v63  }
0x125: {  	_ =	swait.ge [sflag:s3], $0x7D0  }
0x126: {  	[sflag:s3] =	ssyncset.done $0x0  }
0x127: {  	[sflag:s3] =	ssyncadd.s32 $0xFFFFF830  }
0x128: {  	v3 =	vld [tilespmem:s20+$0x0];
	_ =	sdelay $0x1  }
0x129: {  	v4 =	vld [tilespmem:s16+$0x0];
	_ =	sdelay $0x2  }
0x12a: {  	v3 =	vmul.u32 $0x43, v3;
	_ =	sdelay $0x1  }
0x12b: {  	v3 =	vadd.s32 v4, v3;
	_ =	sdelay $0x2  }
0x12c: {  	s21 =	simm.s32 $0x3E80  }
0x12d: {  	v4 =	vor.u32 s21, v1  }
0x12e: {  	s18 =	simm.s32 $0x2B10;
	[tilespmem:v3+s5+$0x0] =	vst.idx.msk $0xffff, v4  }
0x12f: {  	s19 =	simm.s32 $0x3EA0;
	s17 =	simm.s32 $0x3E90;
	v3 =	vld [tilespmem:s18+$0x0]  }
.LBB2_20:
0x130: {  	p0 =	sne.s32 s19, $0x4640;
	s16 =	sadd.s32 $0x10, s16  }
0x131: {  	v4 =	vld [tilespmem:s16+$0x0];
	_ =	sdelay $0x2  }
0x132: {  	v3 =	vmul.u32 $0x43, v3;
	_ =	sdelay $0x1  }
0x133: {  	v3 =	vadd.s32 v4, v3;
	_ =	sdelay $0x1  }
.Ltmp11:
0x134: {  	(pc) =	sbr.rel @p0 .LBB2_20-.Ltmp11, $4  }
0x135: {  	_ = 	snop  }
0x136: {  	v4 =	vor.u32 s17, v1;
	s17 =	smov.u32 s19  }
0x137: {  	s18 =	sadd.s32 $0x10, s18;
	[tilespmem:v3+s5+$0x0] =	vst.idx.msk $0xffff, v4  }
0x138: {  	s19 =	sadd.s32 $0x10, s19;
	v3 =	vld [tilespmem:s18+$0x0]  }
0x139: {  	s16 =	sadd.s32 $0x10, s16  }
0x13a: {  	v4 =	vld [tilespmem:s16+$0x0];
	_ =	sdelay $0x2  }
0x13b: {  	v3 =	vmul.u32 $0x43, v3;
	_ =	sdelay $0x1  }
0x13c: {  	v3 =	vadd.s32 v4, v3;
	_ =	sdelay $0x3  }
0x13d: {  	v4 =	vor.u32 s17, v1  }
0x13e: {  	s20 =	simm.s32 $0x2B00;
	[tilespmem:v3+s5+$0x0] =	vst.idx.msk $0xffff, v4  }
0x13f: {  	[tilespmem:s20], [sflag:$0x5] =	stream.linear.gather [hbm4b:s28+s5], $0x7D0, $0x38;
	[tilespmem:$0x10300] =	vst v63  }
0x140: {  	_ =	swait.ge [sflag:s3], $0x7D0  }
0x141: {  	[sflag:s3] =	ssyncset.done $0x0  }
0x142: {  	s16 =	simm.s32 $0x3300;
	[sflag:s3] =	ssyncadd.s32 $0xFFFFF830  }
0x143: {  	[tilespmem:s16], [sflag:$0x5] =	stream.linear.gather [hbm4b:s29+s5], $0x7D0, $0x38;
	[tilespmem:$0x10300] =	vst v63  }
0x144: {  	_ =	swait.ge [sflag:s3], $0x7D0  }
0x145: {  	[sflag:s3] =	ssyncset.done $0x0  }
0x146: {  	[sflag:s3] =	ssyncadd.s32 $0xFFFFF830  }
0x147: {  	v3 =	vld [tilespmem:s20+$0x0];
	_ =	sdelay $0x1  }
0x148: {  	v4 =	vld [tilespmem:s16+$0x0];
	_ =	sdelay $0x2  }
0x149: {  	v3 =	vmul.u32 $0x43, v3;
	_ =	sdelay $0x1  }
0x14a: {  	v3 =	vadd.s32 v4, v3;
	_ =	sdelay $0x2  }
0x14b: {  	s21 =	simm.s32 $0x4650  }
0x14c: {  	s18 =	simm.s32 $0x0;
	v4 =	vor.u32 s21, v1  }
0x14d: {  	s19 =	simm.s32 $0x2B10;
	[tilespmem:v3+s18+$0x0] =	vst.idx.msk $0xffff, v4  }
0x14e: {  	s17 =	simm.s32 $0x4660;
	s20 =	simm.s32 $0x4670;
	v3 =	vld [tilespmem:s19+$0x0]  }
.LBB2_22:
0x14f: {  	p0 =	sne.s32 s20, $0x4E10;
	s16 =	sadd.s32 $0x10, s16  }
0x150: {  	v4 =	vld [tilespmem:s16+$0x0];
	_ =	sdelay $0x2  }
0x151: {  	v3 =	vmul.u32 $0x43, v3;
	_ =	sdelay $0x1  }
0x152: {  	v3 =	vadd.s32 v4, v3;
	_ =	sdelay $0x1  }
.Ltmp12:
0x153: {  	(pc) =	sbr.rel @p0 .LBB2_22-.Ltmp12, $4  }
0x154: {  	_ = 	snop  }
0x155: {  	v4 =	vor.u32 s17, v1;
	s17 =	smov.u32 s20  }
0x156: {  	s19 =	sadd.s32 $0x10, s19;
	[tilespmem:v3+s18+$0x0] =	vst.idx.msk $0xffff, v4  }
0x157: {  	s20 =	sadd.s32 $0x10, s20;
	v3 =	vld [tilespmem:s19+$0x0]  }
0x158: {  	s16 =	sadd.s32 $0x10, s16  }
0x159: {  	v4 =	vld [tilespmem:s16+$0x0];
	_ =	sdelay $0x2  }
0x15a: {  	v3 =	vmul.u32 $0x43, v3;
	_ =	sdelay $0x1  }
0x15b: {  	p1 =	por $0x1, $0x1;
	v3 =	vadd.s32 v4, v3  }
.Ltmp13:
0x15c: {  	_ = 	snop;
	(pc) =	sbr.rel @!p1 .LBB2_24-.Ltmp13, $3  }
0x15d: {  	_ =	sdelay $0x1  }
0x15e: {  	v63 =	vor.u32 s17, v1;
	s16 =	simm.s32 $0x0  }
0x15f: {  	s17 =	simm.s32 $0x0;
	p0 =	por $0x0, $0x0;
	[tilespmem:v3+s16+$0x0] =	vst.idx.msk $0xffff, v63  }
0x160: {  	v3 =	vld [tilespmem:s17+$0x0];
	_ =	sdelay $0x1  }
0x161: {  	p1 =	por $0x1, $0x1  }
.Ltmp14:
0x162: {  	_ = 	snop;
	(pc) =	sbr.rel @!p1 .LBB2_27-.Ltmp14, $4  }
0x163: {  	_ = 	snop  }
0x164: {  	vm0 =	vgt.s32 v3, $0x0  }
0x165: {  	vm1 =	vgt.s32 v3, $0xFFFFFFFF;
	v4 =	vnsel vm0, $0x0, v3  }
0x166: {  	s18 =	simm.s32 $0x10;
	s19 =	simm.s32 $0x80;
	p0 =	por $0x1, $0x1;
	v3 =	vsel vm1, $0x3F800000, v2;
	[tilespmem:s17+$0x0] =	vst v4  }
.LBB2_26:
0x167: {  	p1 =	sne.s32 s19, $0x55C0;
	v4 =	vld [tilespmem:s18+$0x0];
	[tilespmem:s17+$0x1580] =	vst v3;
	s17 =	smov.u32 s18;
	_ =	sdelay $0x2  }
.Ltmp15:
0x168: {  	(pc) =	sbr.rel @p1 .LBB2_26-.Ltmp15, $4  }
0x169: {  	_ = 	snop  }
0x16a: {  	vm0 =	vgt.s32 v4, $0xFFFFFFFF;
	vm1 =	vgt.s32 v4, $0x0  }
0x16b: {  	v4 =	vnsel vm1, $0x0, v4;
	v3 =	vsel vm0, $0x3F800000, v2  }
0x16c: {  	s18 =	sshra.s32 s19, $0x2;
	s19 =	sadd.s32 $0x40, s19;
	[tilespmem:s17+$0x0] =	vst v4  }
.LBB2_27:
0x16d: {  	v4 =	vld [tilespmem:s18+$0x0];
	_ =	sdelay $0x4  }
0x16e: {  	vm0 =	vgt.s32 v4, $0x0  }
0x16f: {  	[tilespmem:s17+$0x1580] =	vst @p0 v3;
	vm1 =	vgt.s32 v4, $0xFFFFFFFF;
	v3 =	vnsel vm0, $0x0, v4  }
0x170: {  	v63 =	vsel vm1, $0x3F800000, v2;
	[tilespmem:s18+$0x0] =	vst v3  }
0x171: {  	[tilespmem:s18+$0x1580] =	vst v63  }
.LBB2_28:
0x172: {  	p0 =	seq.s32 s16, $0x0  }
0x173: {  	s17 =	simm.s32 @!p0 $0x3  }
0x174: {  	_ =	swait.ge @!p0 [sflag:s17], $0x1580  }
0x175: {  	[sflag:s17] =	ssyncset.done @!p0 $0x0  }
0x176: {  	[sflag:s17] =	ssyncadd.s32 @!p0 $0xFFFFEA80  }
0x177: {  	_ =	swait.ge [sflag:s9], $0x4E80  }
0x178: {  	[sflag:s9] =	ssyncset.done $0x0  }
0x179: {  	s20 =	simm.s32 $0x0;
	[sflag:s9] =	ssyncadd.s32 $0xFFFFB180  }
0x17a: {  	v4 =	vld [tilespmem:s20+$0x0];
	_ =	sdelay $0x6  }
0x17b: {  	s17 =	sshll.u32 s16, $0x1;
	v3 =	vld [tilespmem:s20+$0x1580]  }
0x17c: {  	s19 =	simm.s32 $0x10;
	s21 =	simm.s32 $0x80;
	s18 =	sor.u32 s4, s17;
	v4 =	vld.idx.msk [tilespmem:v4+s0+$0x0], $0xffff  }
.LBB2_29:
0x17d: {  	p0 =	sne.s32 s21, $0x55C0;
	v5 =	vld [tilespmem:s19+$0x0];
	_ =	sdelay $0x3  }
.Ltmp16:
0x17e: {  	(pc) =	sbr.rel @p0 .LBB2_29-.Ltmp16, $3  }
0x17f: {  	v4 =	vmul.f32 v3, v4;
	_ =	sdelay $0x1  }
0x180: {  	v3 =	vld [tilespmem:s19+$0x1580];
	[tilespmem:s20+$0xD800] =	vst v4;
	s20 =	smov.u32 s19  }
0x181: {  	s19 =	sshra.s32 s21, $0x2;
	s21 =	sadd.s32 $0x40, s21;
	v4 =	vld.idx.msk [tilespmem:v5+s0+$0x0], $0xffff  }
0x182: {  	v5 =	vld [tilespmem:s19+$0x0];
	_ =	sdelay $0x4  }
0x183: {  	v3 =	vmul.f32 v3, v4;
	_ =	sdelay $0x1  }
0x184: {  	v63 =	vld [tilespmem:s19+$0x1580];
	[tilespmem:s20+$0xD800] =	vst v3  }
0x185: {  	v3 =	vld.idx.msk [tilespmem:v5+s0+$0x0], $0xffff;
	_ =	sdelay $0x1  }
0x186: {  	s20 =	sshrl.u32 s18, $0x3  }
0x187: {  	s21 =	sshll.u32 s16, $0x8;
	s20 =	smul.u32 $0xAC00, s20  }
0x188: {  	s21 =	sand.u32 $0x300, s21  }
0x189: {  	p0 =	seq.s32 s16, $0xF;
	s20 =	sor.u32 s21, s20;
	v3 =	vmul.f32 v63, v3  }
0x18a: {  	s18 =	sadd.s32 @!p0 $0x2, s18;
	s20 =	sshrl.u32 s20, $0x3  }
0x18b: {  	s21 =	sadd.s32 s7, s20;
	[tilespmem:s19+$0xD800] =	vst v3;
	s19 =	sshrl.u32 @!p0 s18, $0x3  }
0x18c: {  	[hbm4b:s21+s31] =	stream.strided.scatter [tilespmem:s10], [sflag:$0x3], $0x1580, s1, s31, $0x38;
	[tilespmem:$0x10300] =	vst v63  }
0x18d: {  	s18 =	sshll.u32 @!p0 s18, $0x7;
	s19 =	smul.u32 @!p0 $0x27400, s19  }
0x18e: {  	p1 =	seq.s32 @!p0 s16, $0x0;
	s18 =	sand.u32 @!p0 $0x300, s18  }
0x18f: {  	p1 =	por p0, !p1;
	s18 =	sor.u32 @!p0 s18, s19  }
.Ltmp17:
0x190: {  	s20 =	simm.s32 @!p0 $0x400;
	s18 =	sshrl.u32 @!p0 s18, $0x3;
	(pc) =	sbr.rel @!p1 .LBB2_32-.Ltmp17, $4  }
0x191: {  	s21 =	simm.s32 @!p0 $0x3B00;
	s19 =	simm.s32 @!p0 $0x80;
	s18 =	sadd.s32 @!p0 s6, s18  }
0x192: {  	[tilespmem:s21], [sflag:$0x1] =	stream.strided.gather @!p0 [hbm4b:s18+s19], $0x4E80, s20, s19, $0x38;
	[tilespmem:$0x10300] =	vst v63  }
0x193: {  	s18 =	sor.u32 @!p0 $0x1, s17  }
0x194: {  	s17 =	sor.u32 @!p0 s4, s18  }
0x195: {  	_ =	swait.ge [sflag:s14], $0x1580  }
0x196: {  	[sflag:s14] =	ssyncset.done $0x0  }
0x197: {  	s17 =	smov.u32 @p0 s30;
	s18 =	simm.s32 @p0 $0x1F;
	[sflag:s14] =	ssyncadd.s32 $0xFFFFEA80  }
.LBB2_32:
0x198: {  	_ =	swait.ge [sflag:s11], $0x4E80  }
0x199: {  	[sflag:s11] =	ssyncset.done $0x0  }
0x19a: {  	s20 =	simm.s32 $0x0;
	[sflag:s11] =	ssyncadd.s32 $0xFFFFB180  }
0x19b: {  	v4 =	vld [tilespmem:s20+$0x0];
	_ =	sdelay $0x6  }
0x19c: {  	v3 =	vld [tilespmem:s20+$0x1580]  }
0x19d: {  	s19 =	simm.s32 $0x10;
	s21 =	simm.s32 $0x80;
	v4 =	vld.idx.msk [tilespmem:v4+s2+$0x0], $0xffff  }
.LBB2_33:
0x19e: {  	p1 =	sne.s32 s21, $0x55C0;
	v5 =	vld [tilespmem:s19+$0x0];
	_ =	sdelay $0x3  }
.Ltmp18:
0x19f: {  	(pc) =	sbr.rel @p1 .LBB2_33-.Ltmp18, $3  }
0x1a0: {  	v4 =	vmul.f32 v3, v4;
	_ =	sdelay $0x1  }
0x1a1: {  	v3 =	vld [tilespmem:s19+$0x1580];
	[tilespmem:s20+$0xED80] =	vst v4;
	s20 =	smov.u32 s19  }
0x1a2: {  	s19 =	sshra.s32 s21, $0x2;
	s21 =	sadd.s32 $0x40, s21;
	v4 =	vld.idx.msk [tilespmem:v5+s2+$0x0], $0xffff  }
0x1a3: {  	v5 =	vld [tilespmem:s19+$0x0];
	_ =	sdelay $0x4  }
0x1a4: {  	v3 =	vmul.f32 v3, v4;
	_ =	sdelay $0x1  }
0x1a5: {  	v63 =	vld [tilespmem:s19+$0x1580];
	[tilespmem:s20+$0xED80] =	vst v3  }
0x1a6: {  	v3 =	vld.idx.msk [tilespmem:v5+s2+$0x0], $0xffff;
	_ =	sdelay $0x1  }
0x1a7: {  	s21 =	sshrl.u32 s17, $0x3  }
0x1a8: {  	s18 =	sshll.u32 s18, $0x7;
	s20 =	smul.u32 $0xAC00, s21  }
.Ltmp19:
0x1a9: {  	s18 =	sand.u32 $0x380, s18;
	(pc) =	sbr.rel @p0 .LBB2_36-.Ltmp19, $4  }
0x1aa: {  	s18 =	sor.u32 s20, s18;
	v3 =	vmul.f32 v63, v3  }
0x1ab: {  	s18 =	sshrl.u32 s18, $0x3  }
0x1ac: {  	s18 =	sadd.s32 s7, s18;
	[tilespmem:s19+$0xED80] =	vst v3  }
0x1ad: {  	[hbm4b:s18+s31] =	stream.strided.scatter [tilespmem:s12], [sflag:$0x4], $0x1580, s1, s31, $0x38;
	[tilespmem:$0x10300] =	vst v63  }
0x1ae: {  	s17 =	sadd.s32 $0x2, s17  }
0x1af: {  	s18 =	sshrl.u32 s17, $0x3  }
0x1b0: {  	s17 =	sshll.u32 s17, $0x7;
	s18 =	smul.u32 $0x27400, s18  }
.Ltmp20:
0x1b1: {  	s17 =	sand.u32 $0x380, s17;
	(pc) =	sbr.rel .LBB2_28-.Ltmp20, $4  }
0x1b2: {  	s17 =	sor.u32 s17, s18  }
0x1b3: {  	s17 =	sshrl.u32 s17, $0x3  }
0x1b4: {  	s16 =	sadd.s32 $0x1, s16;
	s17 =	sadd.s32 s6, s17  }
0x1b5: {  	[tilespmem:s2], [sflag:$0x2] =	stream.strided.gather [hbm4b:s17+s31], $0x4E80, s1, s31, $0x38;
	[tilespmem:$0x10300] =	vst v63  }
.LBB2_24:
.Ltmp21:
0x1b6: {  	(pc) =	sbr.rel .LBB2_27-.Ltmp21, $2  }
0x1b7: {  	_ =	sdelay $0x2  }
0x1b8: {  	s18 =	simm.s32 $0x0  }
.LBB2_37:
0x1b9: {  	_ =	sfence.sel $0x180000  }
0x1ba: {  	[bflag:$0x0] =	sbarrier.arrive $0xFFFF  }
0x1bb: {  	_ =	strace $0x90000047  }
0x1bc: {  	s0 =	stileid.u32;
	[bflag:$0x2] =	sbarrier.arrive $0xFFFF  }
0x1bd: {  	p0 =	sne.s32 s0, $0x0;
	s0 =	rddreg [dreg:$0x3]  }
0x1be: {  	s0 =	sadd.s32 @!p0 $0x100000, s0  }
0x1bf: {  	[sflag:s0] =	ssyncadd.tile.s32 @!p0 $0x1;
	_ =	shalt  }
.Lfunc_end2:
_tile_overlayer_lowered:
.L_overlay_start_2:
0x1c0: {  	(tag) =	ssettag $0x2  }
0x1c1: {  	s0 =	rddreg [dreg:$0x0];
	s2 =	stileid.u32  }
0x1c2: {  	s1 =	rddreg [dreg:$0x1];
	p0 =	sne.s32 s2, $0x0  }
0x1c3: {  	s3 =	rddreg [dreg:$0x2];
	[bflag:$0x3] =	sbarrier.arrive $0xFFFF;
	s2 =	simm.s32 @!p0 $0x1C05  }
0x1c4: {  	[timem:s3], [sflag:s2] =	dma.local @!p0 [hbm:s0], s1  }
0x1c5: {  	s0 =	simm.s32 @!p0 $0x5  }
0x1c6: {  	_ =	swait.ge @!p0 [sflag:s0], s1  }
0x1c7: {  	s1 =	ssub.s32 @!p0 $0x0, s1;
	[sflag:s0] =	ssyncset.done @!p0 $0x0  }
0x1c8: {  	[sflag:s0] =	ssyncadd.s32 @!p0 s1  }
0x1c9: {  	[bflag:$0x3] =	sbarrier.arrive $0xFFFF  }
0x1ca: {  	_ =	shalt  }

</sc_bundles>
